<compile_context>
chip_gen: v7x
topology: tpu7x:2x2x1
jax: 0.10.2.dev20260603
libtpu: 0.0.44.dev20260713+nightly
codegen_flags: <defaults>
</compile_context>

<pallas_src>
import functools

import jax
import jax.numpy as jnp
from jax import lax
from jax.experimental import pallas as pl
from jax.experimental.pallas import tpu as pltpu
from jax.experimental.pallas import tpu_sc as plsc

N_NODES = 10000
N_EDGES = 320000
D = 128
DE = 16
DT = 256

NC, NS = 2, 16
NW = NC * NS
EPW = N_EDGES // NW
GC = 80
NCHUNK = EPW // GC
NB = N_NODES // GC
NBT = (NB + NS - 1) // NS


def _pack_bf16_pair(lo_f32, hi_f32):
    half = jnp.uint32(0x8000)
    lo = (lax.bitcast_convert_type(lo_f32, jnp.uint32) + half) >> 16
    hi = (lax.bitcast_convert_type(hi_f32, jnp.uint32) + half) & jnp.uint32(0xFFFF0000)
    return lax.bitcast_convert_type(lo | hi, jnp.float32)


def _tables_body(x_ref, wa_ref, wb_ref, ta_ref, tb_ref):
    x = x_ref[...]
    ta = jnp.dot(x, wa_ref[...], preferred_element_type=jnp.float32)
    tb = jnp.dot(x, wb_ref[...], preferred_element_type=jnp.float32)
    ta_ref[...] = _pack_bf16_pair(ta[:, :D], ta[:, D:])
    tb_ref[...] = _pack_bf16_pair(tb[:, :D], tb[:, D:])


def _tables(x, wa, wb):
    blk = 2000
    return pl.pallas_call(
        _tables_body,
        grid=(N_NODES // blk,),
        in_specs=[
            pl.BlockSpec((blk, D), lambda i: (i, 0)),
            pl.BlockSpec((D, DT), lambda i: (0, 0)),
            pl.BlockSpec((D, DT), lambda i: (0, 0)),
        ],
        out_specs=[
            pl.BlockSpec((blk, D), lambda i: (i, 0)),
            pl.BlockSpec((blk, D), lambda i: (i, 0)),
        ],
        out_shape=[jax.ShapeDtypeStruct((N_NODES, D), jnp.float32)] * 2,
    )(x, wa, wb)


@functools.partial(
    pl.kernel,
    out_type=(jax.ShapeDtypeStruct((N_EDGES, D), jnp.float32),
              jax.ShapeDtypeStruct((N_EDGES, D), jnp.float32)),
    mesh=plsc.VectorSubcoreMesh(core_axis_name="c", subcore_axis_name="s"),
    scratch_types=[
        pltpu.VMEM((2, GC), jnp.int32),
        pltpu.VMEM((2, GC), jnp.int32),
        pltpu.VMEM((2, GC, D), jnp.float32),
        pltpu.VMEM((2, GC, D), jnp.float32),
        [pltpu.SemaphoreType.DMA] * 2,
        [pltpu.SemaphoreType.DMA] * 2,
        [pltpu.SemaphoreType.DMA] * 2,
        [pltpu.SemaphoreType.DMA] * 2,
    ],
)
def _sc_gather(ta, tb, src, tgt, g1, g2, ia, ib, ba, bb,
               sem_a, sem_b, sem_wa, sem_wb):
    wid = lax.axis_index("c") * NS + lax.axis_index("s")
    ebase = wid * EPW

    def fire(k, b):
        pltpu.sync_copy(src.at[pl.ds(ebase + k * GC, GC)], ia.at[b])
        pltpu.sync_copy(tgt.at[pl.ds(ebase + k * GC, GC)], ib.at[b])
        pltpu.async_copy(ta.at[ia.at[b]], ba.at[b], sem_a[b])
        pltpu.async_copy(tb.at[ib.at[b]], bb.at[b], sem_b[b])

    def drain_gather(b):
        pltpu.make_async_copy(ta.at[ia.at[b]], ba.at[b], sem_a[b]).wait()
        pltpu.make_async_copy(tb.at[ib.at[b]], bb.at[b], sem_b[b]).wait()

    def fire_write(k, b):
        pltpu.async_copy(ba.at[b], g1.at[pl.ds(ebase + k * GC, GC)], sem_wa[b])
        pltpu.async_copy(bb.at[b], g2.at[pl.ds(ebase + k * GC, GC)], sem_wb[b])

    def drain_write(b):
        pltpu.make_async_copy(ba.at[b], g1.at[pl.ds(ebase, GC)], sem_wa[b]).wait()
        pltpu.make_async_copy(bb.at[b], g2.at[pl.ds(ebase, GC)], sem_wb[b]).wait()

    fire(0, 0)

    def pair(p, carry):
        k0 = p * 2

        @pl.when(p > 0)
        def _():
            drain_write(1)

        fire(k0 + 1, 1)
        drain_gather(0)
        fire_write(k0, 0)

        @pl.when(k0 + 2 < NCHUNK)
        def _():
            drain_write(0)
            fire(k0 + 2, 0)

        drain_gather(1)
        fire_write(k0 + 1, 1)
        return carry

    lax.fori_loop(0, NCHUNK // 2, pair, 0)
    drain_gather(0)
    fire_write(NCHUNK - 1, 0)
    drain_write(0)
    drain_write(1)


def _unpack_bf16_pair(gw):
    zf = lax.bitcast_convert_type(gw << 16, jnp.float32)
    zs = lax.bitcast_convert_type(gw & jnp.uint32(0xFFFF0000), jnp.float32)
    return zf, zs


def _msg_body(g1_ref, g2_ref, e_ref, we_ref, b_ref, m_ref):
    f1, s1 = _unpack_bf16_pair(lax.bitcast_convert_type(g1_ref[...], jnp.uint32))
    f2, s2 = _unpack_bf16_pair(lax.bitcast_convert_type(g2_ref[...], jnp.uint32))
    ez = jnp.dot(e_ref[...], we_ref[...],
                 preferred_element_type=jnp.float32) + b_ref[...]
    zf = f1 + f2 + ez[:, :D]
    zs = s1 + s2 + ez[:, D:]
    sig = 1.0 / (1.0 + jnp.exp(-zf))
    sp = jnp.maximum(zs, 0.0) + jnp.log(1.0 + jnp.exp(-jnp.abs(zs)))
    m_ref[...] = sig * sp


def _msg(g1, g2, ea, we, bcat):
    blk = 6400
    return pl.pallas_call(
        _msg_body,
        grid=(N_EDGES // blk,),
        in_specs=[
            pl.BlockSpec((blk, D), lambda i: (i, 0)),
            pl.BlockSpec((blk, D), lambda i: (i, 0)),
            pl.BlockSpec((blk, DE), lambda i: (i, 0)),
            pl.BlockSpec((DE, DT), lambda i: (0, 0)),
            pl.BlockSpec((1, DT), lambda i: (0, 0)),
        ],
        out_specs=pl.BlockSpec((blk, D), lambda i: (i, 0)),
        out_shape=jax.ShapeDtypeStruct((N_EDGES, D), jnp.float32),
    )(g1, g2, ea, we, bcat)


@functools.partial(
    pl.kernel,
    out_type=jax.ShapeDtypeStruct((NC, N_NODES, D), jnp.float32),
    mesh=plsc.VectorSubcoreMesh(core_axis_name="c", subcore_axis_name="s"),
    scratch_types=[
        pltpu.VMEM((2, GC), jnp.int32),
        pltpu.VMEM((2, GC, D), jnp.float32),
        pltpu.VMEM_SHARED((N_NODES, D), jnp.float32),
        [pltpu.SemaphoreType.DMA] * 2,
    ],
)
def _sc_scatter(msg, src, out, idx, buf, acc, sem):
    c = lax.axis_index("c")
    s = lax.axis_index("s")
    ebase = (c * NS + s) * EPW
    zeros = jnp.zeros((16,), jnp.float32)

    def zrow(r, carry):
        for j in range(D // 16):
            buf[0, r, pl.ds(j * 16, 16)] = zeros
        return carry

    lax.fori_loop(0, GC, zrow, 0)

    def initblk(t, carry):
        b = s + t * NS
        @pl.when(b < NB)
        def _():
            pltpu.sync_copy(buf.at[0], acc.at[pl.ds(b * GC, GC)])
        return carry

    lax.fori_loop(0, NBT, initblk, 0)
    plsc.subcore_barrier()

    def fire(k, b):
        pltpu.sync_copy(src.at[pl.ds(ebase + k * GC, GC)], idx.at[b])
        pltpu.async_copy(msg.at[pl.ds(ebase + k * GC, GC)], buf.at[b], sem[b])

    def scat(b):
        pltpu.make_async_copy(msg.at[pl.ds(ebase, GC)], buf.at[b], sem[b]).wait()
        pltpu.sync_copy(buf.at[b], acc.at[idx.at[b]], add=True)

    fire(0, 0)

    def pair(p, carry):
        k0 = p * 2
        fire(k0 + 1, 1)
        scat(0)

        @pl.when(k0 + 2 < NCHUNK)
        def _():
            fire(k0 + 2, 0)

        scat(1)
        return carry

    lax.fori_loop(0, NCHUNK // 2, pair, 0)
    scat(0)
    plsc.subcore_barrier()

    def outblk(t, carry):
        b = s + t * NS
        @pl.when(b < NB)
        def _():
            pltpu.sync_copy(acc.at[pl.ds(b * GC, GC)], buf.at[0])
            pltpu.sync_copy(buf.at[0], out.at[c, pl.ds(b * GC, GC)])
        return carry

    lax.fori_loop(0, NBT, outblk, 0)


def _final_body(p_ref, x_ref, g_ref, b_ref, o_ref):
    m = p_ref[0] + p_ref[1]
    mean = jnp.mean(m, axis=0, keepdims=True)
    cent = m - mean
    var = jnp.mean(cent * cent, axis=0, keepdims=True)
    o_ref[...] = x_ref[...] + cent * lax.rsqrt(var + 1e-5) * g_ref[...] + b_ref[...]


def _final(parts, x, gamma, beta):
    return pl.pallas_call(
        _final_body,
        out_shape=jax.ShapeDtypeStruct((N_NODES, D), jnp.float32),
    )(parts, x, gamma, beta)


def kernel(node_attrs, edge_index, edge_attrs, Wf, bf, Ws, bs, gamma, beta):
    src = edge_index[0].astype(jnp.int32)
    tgt = edge_index[1].astype(jnp.int32)
    wa = jnp.concatenate([Wf[:, :D], Ws[:, :D]], axis=0).T
    wb = jnp.concatenate([Wf[:, D:2 * D], Ws[:, D:2 * D]], axis=0).T
    we = jnp.concatenate([Wf[:, 2 * D:], Ws[:, 2 * D:]], axis=0).T
    bcat = jnp.concatenate([bf, bs])[None, :]

    ta, tb = _tables(node_attrs, wa, wb)
    g1, g2 = _sc_gather(ta, tb, src, tgt)
    m = _msg(g1, g2, edge_attrs, we, bcat)
    parts = _sc_scatter(m, src)
    return _final(parts, node_attrs, gamma[None, :], beta[None, :])

# --- scband reference (transcript-rebuilt; emitter-appended) ---
"""Pipeline reference for scband-graph-conv-layer-11536282157551 (READ-ONLY COPY).

The authoritative reference and input builder live on the scoring server;
editing this copy changes nothing except your own understanding.
"""

import jax, jax.numpy as jnp
import numpy as np

N_NODES = 10000
N_EDGES = 320000
D_NODE = 128
D_EDGE = 16


def setup_inputs(seed: int = 0) -> dict:
    key = jax.random.key(seed)
    k1, k2, k3, k4, k5, k6, k7 = jax.random.split(key, 7)
    node_attrs = jax.random.normal(k1, (N_NODES, D_NODE), dtype=jnp.float32)
    edge_index = jax.random.randint(k2, (2, N_EDGES), 0, N_NODES, dtype=jnp.int64)
    edge_attrs = jax.random.normal(k3, (N_EDGES, D_EDGE), dtype=jnp.float32)
    d_in = 2 * D_NODE + D_EDGE
    bound = 1.0 / np.sqrt(d_in)
    Wf = jax.random.uniform(k4, (D_NODE, d_in), dtype=jnp.float32, minval=-bound, maxval=bound)
    bf = jax.random.uniform(k5, (D_NODE,), dtype=jnp.float32, minval=-bound, maxval=bound)
    Ws = jax.random.uniform(k6, (D_NODE, d_in), dtype=jnp.float32, minval=-bound, maxval=bound)
    bs = jax.random.uniform(k7, (D_NODE,), dtype=jnp.float32, minval=-bound, maxval=bound)
    gamma = jnp.ones((D_NODE,), dtype=jnp.float32)
    beta = jnp.zeros((D_NODE,), dtype=jnp.float32)
    return {"node_attrs": node_attrs, "edge_index": edge_index, "edge_attrs": edge_attrs,
            "Wf": Wf, "bf": bf, "Ws": Ws, "bs": bs, "gamma": gamma, "beta": beta}


def reference(node_attrs, edge_index, edge_attrs, Wf, bf, Ws, bs, gamma, beta):
    source = edge_index[0]
    target = edge_index[1]
    # gather endpoint features
    x_i = jnp.take(node_attrs, source, axis=0)
    x_j = jnp.take(node_attrs, target, axis=0)
    z = jnp.concatenate([x_i, x_j, edge_attrs], axis=-1)
    zf = z @ Wf.T + bf
    zs = z @ Ws.T + bs
    msg_per_edge = jax.nn.sigmoid(zf) * jax.nn.softplus(zs)
    # scatter-add messages to source nodes (reduce='add')
    message = jax.ops.segment_sum(msg_per_edge, source, num_segments=node_attrs.shape[0])
    # BatchNorm1d in training mode: batch statistics over node dimension (biased variance)
    mean = jnp.mean(message, axis=0)
    var = jnp.var(message, axis=0)
    msg_norm = (message - mean) / jnp.sqrt(var + 1e-5) * gamma + beta
    out = node_attrs + msg_norm
    return out

if __name__ == "__main__":
    import jax
    _d = setup_inputs()
    print(jax.jit(kernel)(*tuple(_d.values())))

</pallas_src>

<mosaic_0001>
#map = affine_map<(d0, d1) -> (0, 0)>
#map1 = affine_map<(d0, d1) -> (0)>
module attributes {stable_mosaic.version = 14 : i64} {
  func.func @_sc_gather(%arg0: i32, %arg1: i32, %arg2: memref<10000x128xf32, #tpu.memory_space<hbm>>, %arg3: memref<10000x128xf32, #tpu.memory_space<hbm>>, %arg4: memref<320000xi32, #tpu.memory_space<hbm>>, %arg5: memref<320000xi32, #tpu.memory_space<hbm>>, %arg6: memref<320000x128xf32, #tpu.memory_space<hbm>>, %arg7: memref<320000x128xf32, #tpu.memory_space<hbm>>, %arg8: memref<2x80xi32, #tpu.memory_space<vmem>>, %arg9: memref<2x80xi32, #tpu.memory_space<vmem>>, %arg10: memref<2x80x128xf32, #tpu.memory_space<vmem>>, %arg11: memref<2x80x128xf32, #tpu.memory_space<vmem>>, %arg12: memref<!tpu.dma_semaphore, #tpu.memory_space<semaphore_mem>>, %arg13: memref<!tpu.dma_semaphore, #tpu.memory_space<semaphore_mem>>, %arg14: memref<!tpu.dma_semaphore, #tpu.memory_space<semaphore_mem>>, %arg15: memref<!tpu.dma_semaphore, #tpu.memory_space<semaphore_mem>>, %arg16: memref<!tpu.dma_semaphore, #tpu.memory_space<semaphore_mem>>, %arg17: memref<!tpu.dma_semaphore, #tpu.memory_space<semaphore_mem>>, %arg18: memref<!tpu.dma_semaphore, #tpu.memory_space<semaphore_mem>>, %arg19: memref<!tpu.dma_semaphore, #tpu.memory_space<semaphore_mem>>) attributes {dimension_semantics = [#tpu.dimension_semantics<core_parallel>, #tpu.dimension_semantics<subcore_parallel>], iteration_bounds = array<i64: 2, 16>, scalar_prefetch = 0 : i64, scratch_operands = 12 : i64, tpu.core_type = #tpu.core_type<sc_vector_subcore>, window_params = [{transform_indices = #map}, {transform_indices = #map}, {transform_indices = #map1}, {transform_indices = #map1}, {transform_indices = #map}, {transform_indices = #map}]} {
    %mul3A = arith.constant 16 : i32
    %mul3A_0 = arith.muli %arg0, %mul3A : i32
    %add3A = arith.addi %mul3A_0, %arg1 : i32
    %mul3A_1 = arith.constant 10000 : i32
    %mul3A_2 = arith.muli %add3A, %mul3A_1 : i32
    %add3A_3 = arith.constant 0 : i32
    %add3A_4 = arith.addi %mul3A_2, %add3A_3 : i32
    %run_scoped3A = arith.constant 0 : i32
    "tpu.region"() ({
      %run_scoped3A_141 = tpu.sem_alloc : memref<!tpu.dma_semaphore, #tpu.memory_space<semaphore_mem>>
      %dma_start3A_142 = arith.constant 0 : i32
      %dma_start3A_143 = tpu.memref_slice %arg8[%run_scoped3A, %dma_start3A_142] : memref<2x80xi32, #tpu.memory_space<vmem>> -> memref<1x80xi32, #tpu.memory_space<vmem>>
      %dma_start3A_144 = tpu.memref_squeeze %dma_start3A_143 : memref<1x80xi32, #tpu.memory_space<vmem>> -> memref<80xi32, #tpu.memory_space<vmem>>
      %dma_start3A_145 = tpu.memref_slice %arg4[%add3A_4] : memref<320000xi32, #tpu.memory_space<hbm>> -> memref<80xi32, #tpu.memory_space<hbm>>
      %dma_start3A_146 = arith.constant 0 : i32
      %dma_start3A_147 = tpu.memref_slice %arg8[%run_scoped3A, %dma_start3A_146] : memref<2x80xi32, #tpu.memory_space<vmem>> -> memref<1x80xi32, #tpu.memory_space<vmem>>
      %dma_start3A_148 = tpu.memref_squeeze %dma_start3A_147 : memref<1x80xi32, #tpu.memory_space<vmem>> -> memref<80xi32, #tpu.memory_space<vmem>>
      %dma_start3A_149 = tpu.memref_slice %arg4[%add3A_4] : memref<320000xi32, #tpu.memory_space<hbm>> -> memref<80xi32, #tpu.memory_space<hbm>>
      tpu.enqueue_dma source(%dma_start3A_149 : memref<80xi32, #tpu.memory_space<hbm>>) target(%dma_start3A_148 : memref<80xi32, #tpu.memory_space<vmem>>) target_semaphore(%run_scoped3A_141 : memref<!tpu.dma_semaphore, #tpu.memory_space<semaphore_mem>>)
      %dma_wait3A_150 = arith.constant 0 : i32
      %dma_wait3A_151 = tpu.memref_slice %arg8[%run_scoped3A, %dma_wait3A_150] : memref<2x80xi32, #tpu.memory_space<vmem>> -> memref<1x80xi32, #tpu.memory_space<vmem>>
      %dma_wait3A_152 = tpu.memref_squeeze %dma_wait3A_151 : memref<1x80xi32, #tpu.memory_space<vmem>> -> memref<80xi32, #tpu.memory_space<vmem>>
      %dma_wait3A_153 = tpu.memref_slice %arg4[%add3A_4] : memref<320000xi32, #tpu.memory_space<hbm>> -> memref<80xi32, #tpu.memory_space<hbm>>
      %dma_wait3A_154 = arith.constant 0 : i32
      %dma_wait3A_155 = tpu.memref_slice %arg8[%run_scoped3A, %dma_wait3A_154] : memref<2x80xi32, #tpu.memory_space<vmem>> -> memref<1x80xi32, #tpu.memory_space<vmem>>
      %dma_wait3A_156 = tpu.memref_squeeze %dma_wait3A_155 : memref<1x80xi32, #tpu.memory_space<vmem>> -> memref<80xi32, #tpu.memory_space<vmem>>
      %dma_wait3A_157 = tpu.memref_slice %arg4[%add3A_4] : memref<320000xi32, #tpu.memory_space<hbm>> -> memref<80xi32, #tpu.memory_space<hbm>>
      tpu.wait_dma2 semaphore(%run_scoped3A_141 : memref<!tpu.dma_semaphore, #tpu.memory_space<semaphore_mem>>) src(%dma_wait3A_157 : memref<80xi32, #tpu.memory_space<hbm>>) dst(%dma_wait3A_156 : memref<80xi32, #tpu.memory_space<vmem>>)
      tpu.yield
    }) : () -> ()
    %add3A_5 = arith.constant 0 : i32
    %add3A_6 = arith.addi %mul3A_2, %add3A_5 : i32
    %run_scoped3A_7 = arith.constant 0 : i32
    "tpu.region"() ({
      %run_scoped3A_141 = tpu.sem_alloc : memref<!tpu.dma_semaphore, #tpu.memory_space<semaphore_mem>>
      %dma_start3A_142 = arith.constant 0 : i32
      %dma_start3A_143 = tpu.memref_slice %arg9[%run_scoped3A_7, %dma_start3A_142] : memref<2x80xi32, #tpu.memory_space<vmem>> -> memref<1x80xi32, #tpu.memory_space<vmem>>
      %dma_start3A_144 = tpu.memref_squeeze %dma_start3A_143 : memref<1x80xi32, #tpu.memory_space<vmem>> -> memref<80xi32, #tpu.memory_space<vmem>>
      %dma_start3A_145 = tpu.memref_slice %arg5[%add3A_6] : memref<320000xi32, #tpu.memory_space<hbm>> -> memref<80xi32, #tpu.memory_space<hbm>>
      %dma_start3A_146 = arith.constant 0 : i32
      %dma_start3A_147 = tpu.memref_slice %arg9[%run_scoped3A_7, %dma_start3A_146] : memref<2x80xi32, #tpu.memory_space<vmem>> -> memref<1x80xi32, #tpu.memory_space<vmem>>
      %dma_start3A_148 = tpu.memref_squeeze %dma_start3A_147 : memref<1x80xi32, #tpu.memory_space<vmem>> -> memref<80xi32, #tpu.memory_space<vmem>>
      %dma_start3A_149 = tpu.memref_slice %arg5[%add3A_6] : memref<320000xi32, #tpu.memory_space<hbm>> -> memref<80xi32, #tpu.memory_space<hbm>>
      tpu.enqueue_dma source(%dma_start3A_149 : memref<80xi32, #tpu.memory_space<hbm>>) target(%dma_start3A_148 : memref<80xi32, #tpu.memory_space<vmem>>) target_semaphore(%run_scoped3A_141 : memref<!tpu.dma_semaphore, #tpu.memory_space<semaphore_mem>>)
      %dma_wait3A_150 = arith.constant 0 : i32
      %dma_wait3A_151 = tpu.memref_slice %arg9[%run_scoped3A_7, %dma_wait3A_150] : memref<2x80xi32, #tpu.memory_space<vmem>> -> memref<1x80xi32, #tpu.memory_space<vmem>>
      %dma_wait3A_152 = tpu.memref_squeeze %dma_wait3A_151 : memref<1x80xi32, #tpu.memory_space<vmem>> -> memref<80xi32, #tpu.memory_space<vmem>>
      %dma_wait3A_153 = tpu.memref_slice %arg5[%add3A_6] : memref<320000xi32, #tpu.memory_space<hbm>> -> memref<80xi32, #tpu.memory_space<hbm>>
      %dma_wait3A_154 = arith.constant 0 : i32
      %dma_wait3A_155 = tpu.memref_slice %arg9[%run_scoped3A_7, %dma_wait3A_154] : memref<2x80xi32, #tpu.memory_space<vmem>> -> memref<1x80xi32, #tpu.memory_space<vmem>>
      %dma_wait3A_156 = tpu.memref_squeeze %dma_wait3A_155 : memref<1x80xi32, #tpu.memory_space<vmem>> -> memref<80xi32, #tpu.memory_space<vmem>>
      %dma_wait3A_157 = tpu.memref_slice %arg5[%add3A_6] : memref<320000xi32, #tpu.memory_space<hbm>> -> memref<80xi32, #tpu.memory_space<hbm>>
      tpu.wait_dma2 semaphore(%run_scoped3A_141 : memref<!tpu.dma_semaphore, #tpu.memory_space<semaphore_mem>>) src(%dma_wait3A_157 : memref<80xi32, #tpu.memory_space<hbm>>) dst(%dma_wait3A_156 : memref<80xi32, #tpu.memory_space<vmem>>)
      tpu.yield
    }) : () -> ()
    %dma_start3A = arith.constant 0 : i32
    %dma_start3A_8 = arith.constant 0 : i32
    %dma_start3A_9 = arith.constant 0 : i32
    %dma_start3A_10 = arith.constant 0 : i32
    %dma_start3A_11 = tpu.memref_slice %arg10[%dma_start3A_8, %dma_start3A_9, %dma_start3A_10] : memref<2x80x128xf32, #tpu.memory_space<vmem>> -> memref<1x80x128xf32, #tpu.memory_space<vmem>>
    %dma_start3A_12 = tpu.memref_squeeze %dma_start3A_11 : memref<1x80x128xf32, #tpu.memory_space<vmem>> -> memref<80x128xf32, #tpu.memory_space<vmem>>
    %dma_start3A_13 = arith.constant 0 : i32
    %dma_start3A_14 = tpu.memref_slice %arg8[%dma_start3A, %dma_start3A_13] : memref<2x80xi32, #tpu.memory_space<vmem>> -> memref<1x80xi32, #tpu.memory_space<vmem>>
    %dma_start3A_15 = tpu.memref_squeeze %dma_start3A_14 : memref<1x80xi32, #tpu.memory_space<vmem>> -> memref<80xi32, #tpu.memory_space<vmem>>
    %dma_start3A_16 = arith.constant 0 : i32
    %dma_start3A_17 = arith.constant 0 : i32
    %dma_start3A_18 = tpu.memref_slice %arg2[%dma_start3A_16, %dma_start3A_17] : memref<10000x128xf32, #tpu.memory_space<hbm>> -> memref<10000x128xf32, #tpu.memory_space<hbm>>
    tpu.enqueue_indirect_dma source(%dma_start3A_18 : memref<10000x128xf32, #tpu.memory_space<hbm>>) target(%dma_start3A_12 : memref<80x128xf32, #tpu.memory_space<vmem>>) offsets(%dma_start3A_15 : memref<80xi32, #tpu.memory_space<vmem>>) semaphore(%arg12 : memref<!tpu.dma_semaphore, #tpu.memory_space<semaphore_mem>>)
    %dma_start3A_19 = arith.constant 0 : i32
    %dma_start3A_20 = arith.constant 0 : i32
    %dma_start3A_21 = arith.constant 0 : i32
    %dma_start3A_22 = arith.constant 0 : i32
    %dma_start3A_23 = tpu.memref_slice %arg11[%dma_start3A_20, %dma_start3A_21, %dma_start3A_22] : memref<2x80x128xf32, #tpu.memory_space<vmem>> -> memref<1x80x128xf32, #tpu.memory_space<vmem>>
    %dma_start3A_24 = tpu.memref_squeeze %dma_start3A_23 : memref<1x80x128xf32, #tpu.memory_space<vmem>> -> memref<80x128xf32, #tpu.memory_space<vmem>>
    %dma_start3A_25 = arith.constant 0 : i32
    %dma_start3A_26 = tpu.memref_slice %arg9[%dma_start3A_19, %dma_start3A_25] : memref<2x80xi32, #tpu.memory_space<vmem>> -> memref<1x80xi32, #tpu.memory_space<vmem>>
    %dma_start3A_27 = tpu.memref_squeeze %dma_start3A_26 : memref<1x80xi32, #tpu.memory_space<vmem>> -> memref<80xi32, #tpu.memory_space<vmem>>
    %dma_start3A_28 = arith.constant 0 : i32
    %dma_start3A_29 = arith.constant 0 : i32
    %dma_start3A_30 = tpu.memref_slice %arg3[%dma_start3A_28, %dma_start3A_29] : memref<10000x128xf32, #tpu.memory_space<hbm>> -> memref<10000x128xf32, #tpu.memory_space<hbm>>
    tpu.enqueue_indirect_dma source(%dma_start3A_30 : memref<10000x128xf32, #tpu.memory_space<hbm>>) target(%dma_start3A_24 : memref<80x128xf32, #tpu.memory_space<vmem>>) offsets(%dma_start3A_27 : memref<80xi32, #tpu.memory_space<vmem>>) semaphore(%arg14 : memref<!tpu.dma_semaphore, #tpu.memory_space<semaphore_mem>>)
    %scan3A = arith.constant 0 : i32
    %scan3A_31 = arith.constant 0 : i32
    %scan3A_32 = arith.constant 62 : i32
    %scan3A_33 = arith.addi %scan3A_31, %scan3A_32 : i32
    %scan3A_34 = arith.constant 1 : i32
    scf.for %scan3A_141 = %scan3A_31 to %scan3A_33 step %scan3A_34  : i32 {
      %mul3A_142 = arith.constant 2 : i32
      %mul3A_143 = arith.muli %scan3A_141, %mul3A_142 : i32
      %gt3A = arith.constant 0 : i32
      %gt3A_144 = arith.cmpi sgt, %scan3A_141, %gt3A : i32
      %convert_element_type3A = arith.extui %gt3A_144 : i1 to i32
      %cond3A = arith.constant 0 : i32
      %cond3A_145 = arith.cmpi ne, %convert_element_type3A, %cond3A : i32
      scf.if %cond3A_145 {
        %dma_wait3A_300 = arith.constant 1 : i32
        %dma_wait3A_301 = arith.constant 0 : i32
        %dma_wait3A_302 = arith.constant 0 : i32
        %dma_wait3A_303 = tpu.memref_slice %arg10[%dma_wait3A_300, %dma_wait3A_301, %dma_wait3A_302] : memref<2x80x128xf32, #tpu.memory_space<vmem>> -> memref<1x80x128xf32, #tpu.memory_space<vmem>>
        %dma_wait3A_304 = tpu.memref_squeeze %dma_wait3A_303 : memref<1x80x128xf32, #tpu.memory_space<vmem>> -> memref<80x128xf32, #tpu.memory_space<vmem>>
        %dma_wait3A_305 = arith.constant 0 : i32
        %dma_wait3A_306 = tpu.memref_slice %arg6[%mul3A_2, %dma_wait3A_305] : memref<320000x128xf32, #tpu.memory_space<hbm>> -> memref<80x128xf32, #tpu.memory_space<hbm>>
        %dma_wait3A_307 = arith.constant 0 : i32
        %dma_wait3A_308 = tpu.memref_slice %arg6[%mul3A_2, %dma_wait3A_307] : memref<320000x128xf32, #tpu.memory_space<hbm>> -> memref<80x128xf32, #tpu.memory_space<hbm>>
        %dma_wait3A_309 = arith.constant 0 : i32
        %dma_wait3A_310 = arith.constant 0 : i32
        %dma_wait3A_311 = tpu.memref_slice %arg10[%dma_wait3A_300, %dma_wait3A_309, %dma_wait3A_310] : memref<2x80x128xf32, #tpu.memory_space<vmem>> -> memref<1x80x128xf32, #tpu.memory_space<vmem>>
        %dma_wait3A_312 = tpu.memref_squeeze %dma_wait3A_311 : memref<1x80x128xf32, #tpu.memory_space<vmem>> -> memref<80x128xf32, #tpu.memory_space<vmem>>
        tpu.wait_dma2 semaphore(%arg17 : memref<!tpu.dma_semaphore, #tpu.memory_space<semaphore_mem>>) src(%dma_wait3A_312 : memref<80x128xf32, #tpu.memory_space<vmem>>) dst(%dma_wait3A_308 : memref<80x128xf32, #tpu.memory_space<hbm>>)
        %dma_wait3A_313 = arith.constant 1 : i32
        %dma_wait3A_314 = arith.constant 0 : i32
        %dma_wait3A_315 = arith.constant 0 : i32
        %dma_wait3A_316 = tpu.memref_slice %arg11[%dma_wait3A_313, %dma_wait3A_314, %dma_wait3A_315] : memref<2x80x128xf32, #tpu.memory_space<vmem>> -> memref<1x80x128xf32, #tpu.memory_space<vmem>>
        %dma_wait3A_317 = tpu.memref_squeeze %dma_wait3A_316 : memref<1x80x128xf32, #tpu.memory_space<vmem>> -> memref<80x128xf32, #tpu.memory_space<vmem>>
        %dma_wait3A_318 = arith.constant 0 : i32
        %dma_wait3A_319 = tpu.memref_slice %arg7[%mul3A_2, %dma_wait3A_318] : memref<320000x128xf32, #tpu.memory_space<hbm>> -> memref<80x128xf32, #tpu.memory_space<hbm>>
        %dma_wait3A_320 = arith.constant 0 : i32
        %dma_wait3A_321 = tpu.memref_slice %arg7[%mul3A_2, %dma_wait3A_320] : memref<320000x128xf32, #tpu.memory_space<hbm>> -> memref<80x128xf32, #tpu.memory_space<hbm>>
        %dma_wait3A_322 = arith.constant 0 : i32
        %dma_wait3A_323 = arith.constant 0 : i32
        %dma_wait3A_324 = tpu.memref_slice %arg11[%dma_wait3A_313, %dma_wait3A_322, %dma_wait3A_323] : memref<2x80x128xf32, #tpu.memory_space<vmem>> -> memref<1x80x128xf32, #tpu.memory_space<vmem>>
        %dma_wait3A_325 = tpu.memref_squeeze %dma_wait3A_324 : memref<1x80x128xf32, #tpu.memory_space<vmem>> -> memref<80x128xf32, #tpu.memory_space<vmem>>
        tpu.wait_dma2 semaphore(%arg19 : memref<!tpu.dma_semaphore, #tpu.memory_space<semaphore_mem>>) src(%dma_wait3A_325 : memref<80x128xf32, #tpu.memory_space<vmem>>) dst(%dma_wait3A_321 : memref<80x128xf32, #tpu.memory_space<hbm>>)
      } else {
      }
      %add3A_146 = arith.constant 1 : i32
      %add3A_147 = arith.addi %mul3A_143, %add3A_146 : i32
      %mul3A_148 = arith.constant 80 : i32
      %mul3A_149 = arith.muli %add3A_147, %mul3A_148 : i32
      %add3A_150 = arith.addi %mul3A_2, %mul3A_149 : i32
      %run_scoped3A_151 = arith.constant 1 : i32
      "tpu.region"() ({
        %run_scoped3A_300 = tpu.sem_alloc : memref<!tpu.dma_semaphore, #tpu.memory_space<semaphore_mem>>
        %dma_start3A_301 = arith.constant 0 : i32
        %dma_start3A_302 = tpu.memref_slice %arg8[%run_scoped3A_151, %dma_start3A_301] : memref<2x80xi32, #tpu.memory_space<vmem>> -> memref<1x80xi32, #tpu.memory_space<vmem>>
        %dma_start3A_303 = tpu.memref_squeeze %dma_start3A_302 : memref<1x80xi32, #tpu.memory_space<vmem>> -> memref<80xi32, #tpu.memory_space<vmem>>
        %dma_start3A_304 = tpu.memref_slice %arg4[%add3A_150] : memref<320000xi32, #tpu.memory_space<hbm>> -> memref<80xi32, #tpu.memory_space<hbm>>
        %dma_start3A_305 = arith.constant 0 : i32
        %dma_start3A_306 = tpu.memref_slice %arg8[%run_scoped3A_151, %dma_start3A_305] : memref<2x80xi32, #tpu.memory_space<vmem>> -> memref<1x80xi32, #tpu.memory_space<vmem>>
        %dma_start3A_307 = tpu.memref_squeeze %dma_start3A_306 : memref<1x80xi32, #tpu.memory_space<vmem>> -> memref<80xi32, #tpu.memory_space<vmem>>
        %dma_start3A_308 = tpu.memref_slice %arg4[%add3A_150] : memref<320000xi32, #tpu.memory_space<hbm>> -> memref<80xi32, #tpu.memory_space<hbm>>
        tpu.enqueue_dma source(%dma_start3A_308 : memref<80xi32, #tpu.memory_space<hbm>>) target(%dma_start3A_307 : memref<80xi32, #tpu.memory_space<vmem>>) target_semaphore(%run_scoped3A_300 : memref<!tpu.dma_semaphore, #tpu.memory_space<semaphore_mem>>)
        %dma_wait3A_309 = arith.constant 0 : i32
        %dma_wait3A_310 = tpu.memref_slice %arg8[%run_scoped3A_151, %dma_wait3A_309] : memref<2x80xi32, #tpu.memory_space<vmem>> -> memref<1x80xi32, #tpu.memory_space<vmem>>
        %dma_wait3A_311 = tpu.memref_squeeze %dma_wait3A_310 : memref<1x80xi32, #tpu.memory_space<vmem>> -> memref<80xi32, #tpu.memory_space<vmem>>
        %dma_wait3A_312 = tpu.memref_slice %arg4[%add3A_150] : memref<320000xi32, #tpu.memory_space<hbm>> -> memref<80xi32, #tpu.memory_space<hbm>>
        %dma_wait3A_313 = arith.constant 0 : i32
        %dma_wait3A_314 = tpu.memref_slice %arg8[%run_scoped3A_151, %dma_wait3A_313] : memref<2x80xi32, #tpu.memory_space<vmem>> -> memref<1x80xi32, #tpu.memory_space<vmem>>
        %dma_wait3A_315 = tpu.memref_squeeze %dma_wait3A_314 : memref<1x80xi32, #tpu.memory_space<vmem>> -> memref<80xi32, #tpu.memory_space<vmem>>
        %dma_wait3A_316 = tpu.memref_slice %arg4[%add3A_150] : memref<320000xi32, #tpu.memory_space<hbm>> -> memref<80xi32, #tpu.memory_space<hbm>>
        tpu.wait_dma2 semaphore(%run_scoped3A_300 : memref<!tpu.dma_semaphore, #tpu.memory_space<semaphore_mem>>) src(%dma_wait3A_316 : memref<80xi32, #tpu.memory_space<hbm>>) dst(%dma_wait3A_315 : memref<80xi32, #tpu.memory_space<vmem>>)
        tpu.yield
      }) : () -> ()
      %mul3A_152 = arith.constant 80 : i32
      %mul3A_153 = arith.muli %add3A_147, %mul3A_152 : i32
      %add3A_154 = arith.addi %mul3A_2, %mul3A_153 : i32
      %run_scoped3A_155 = arith.constant 1 : i32
      "tpu.region"() ({
        %run_scoped3A_300 = tpu.sem_alloc : memref<!tpu.dma_semaphore, #tpu.memory_space<semaphore_mem>>
        %dma_start3A_301 = arith.constant 0 : i32
        %dma_start3A_302 = tpu.memref_slice %arg9[%run_scoped3A_155, %dma_start3A_301] : memref<2x80xi32, #tpu.memory_space<vmem>> -> memref<1x80xi32, #tpu.memory_space<vmem>>
        %dma_start3A_303 = tpu.memref_squeeze %dma_start3A_302 : memref<1x80xi32, #tpu.memory_space<vmem>> -> memref<80xi32, #tpu.memory_space<vmem>>
        %dma_start3A_304 = tpu.memref_slice %arg5[%add3A_154] : memref<320000xi32, #tpu.memory_space<hbm>> -> memref<80xi32, #tpu.memory_space<hbm>>
        %dma_start3A_305 = arith.constant 0 : i32
        %dma_start3A_306 = tpu.memref_slice %arg9[%run_scoped3A_155, %dma_start3A_305] : memref<2x80xi32, #tpu.memory_space<vmem>> -> memref<1x80xi32, #tpu.memory_space<vmem>>
        %dma_start3A_307 = tpu.memref_squeeze %dma_start3A_306 : memref<1x80xi32, #tpu.memory_space<vmem>> -> memref<80xi32, #tpu.memory_space<vmem>>
        %dma_start3A_308 = tpu.memref_slice %arg5[%add3A_154] : memref<320000xi32, #tpu.memory_space<hbm>> -> memref<80xi32, #tpu.memory_space<hbm>>
        tpu.enqueue_dma source(%dma_start3A_308 : memref<80xi32, #tpu.memory_space<hbm>>) target(%dma_start3A_307 : memref<80xi32, #tpu.memory_space<vmem>>) target_semaphore(%run_scoped3A_300 : memref<!tpu.dma_semaphore, #tpu.memory_space<semaphore_mem>>)
        %dma_wait3A_309 = arith.constant 0 : i32
        %dma_wait3A_310 = tpu.memref_slice %arg9[%run_scoped3A_155, %dma_wait3A_309] : memref<2x80xi32, #tpu.memory_space<vmem>> -> memref<1x80xi32, #tpu.memory_space<vmem>>
        %dma_wait3A_311 = tpu.memref_squeeze %dma_wait3A_310 : memref<1x80xi32, #tpu.memory_space<vmem>> -> memref<80xi32, #tpu.memory_space<vmem>>
        %dma_wait3A_312 = tpu.memref_slice %arg5[%add3A_154] : memref<320000xi32, #tpu.memory_space<hbm>> -> memref<80xi32, #tpu.memory_space<hbm>>
        %dma_wait3A_313 = arith.constant 0 : i32
        %dma_wait3A_314 = tpu.memref_slice %arg9[%run_scoped3A_155, %dma_wait3A_313] : memref<2x80xi32, #tpu.memory_space<vmem>> -> memref<1x80xi32, #tpu.memory_space<vmem>>
        %dma_wait3A_315 = tpu.memref_squeeze %dma_wait3A_314 : memref<1x80xi32, #tpu.memory_space<vmem>> -> memref<80xi32, #tpu.memory_space<vmem>>
        %dma_wait3A_316 = tpu.memref_slice %arg5[%add3A_154] : memref<320000xi32, #tpu.memory_space<hbm>> -> memref<80xi32, #tpu.memory_space<hbm>>
        tpu.wait_dma2 semaphore(%run_scoped3A_300 : memref<!tpu.dma_semaphore, #tpu.memory_space<semaphore_mem>>) src(%dma_wait3A_316 : memref<80xi32, #tpu.memory_space<hbm>>) dst(%dma_wait3A_315 : memref<80xi32, #tpu.memory_space<vmem>>)
        tpu.yield
      }) : () -> ()
      %dma_start3A_156 = arith.constant 1 : i32
      %dma_start3A_157 = arith.constant 1 : i32
      %dma_start3A_158 = arith.constant 0 : i32
      %dma_start3A_159 = arith.constant 0 : i32
      %dma_start3A_160 = tpu.memref_slice %arg10[%dma_start3A_157, %dma_start3A_158, %dma_start3A_159] : memref<2x80x128xf32, #tpu.memory_space<vmem>> -> memref<1x80x128xf32, #tpu.memory_space<vmem>>
      %dma_start3A_161 = tpu.memref_squeeze %dma_start3A_160 : memref<1x80x128xf32, #tpu.memory_space<vmem>> -> memref<80x128xf32, #tpu.memory_space<vmem>>
      %dma_start3A_162 = arith.constant 0 : i32
      %dma_start3A_163 = tpu.memref_slice %arg8[%dma_start3A_156, %dma_start3A_162] : memref<2x80xi32, #tpu.memory_space<vmem>> -> memref<1x80xi32, #tpu.memory_space<vmem>>
      %dma_start3A_164 = tpu.memref_squeeze %dma_start3A_163 : memref<1x80xi32, #tpu.memory_space<vmem>> -> memref<80xi32, #tpu.memory_space<vmem>>
      %dma_start3A_165 = arith.constant 0 : i32
      %dma_start3A_166 = arith.constant 0 : i32
      %dma_start3A_167 = tpu.memref_slice %arg2[%dma_start3A_165, %dma_start3A_166] : memref<10000x128xf32, #tpu.memory_space<hbm>> -> memref<10000x128xf32, #tpu.memory_space<hbm>>
      tpu.enqueue_indirect_dma source(%dma_start3A_167 : memref<10000x128xf32, #tpu.memory_space<hbm>>) target(%dma_start3A_161 : memref<80x128xf32, #tpu.memory_space<vmem>>) offsets(%dma_start3A_164 : memref<80xi32, #tpu.memory_space<vmem>>) semaphore(%arg13 : memref<!tpu.dma_semaphore, #tpu.memory_space<semaphore_mem>>)
      %dma_start3A_168 = arith.constant 1 : i32
      %dma_start3A_169 = arith.constant 1 : i32
      %dma_start3A_170 = arith.constant 0 : i32
      %dma_start3A_171 = arith.constant 0 : i32
      %dma_start3A_172 = tpu.memref_slice %arg11[%dma_start3A_169, %dma_start3A_170, %dma_start3A_171] : memref<2x80x128xf32, #tpu.memory_space<vmem>> -> memref<1x80x128xf32, #tpu.memory_space<vmem>>
      %dma_start3A_173 = tpu.memref_squeeze %dma_start3A_172 : memref<1x80x128xf32, #tpu.memory_space<vmem>> -> memref<80x128xf32, #tpu.memory_space<vmem>>
      %dma_start3A_174 = arith.constant 0 : i32
      %dma_start3A_175 = tpu.memref_slice %arg9[%dma_start3A_168, %dma_start3A_174] : memref<2x80xi32, #tpu.memory_space<vmem>> -> memref<1x80xi32, #tpu.memory_space<vmem>>
      %dma_start3A_176 = tpu.memref_squeeze %dma_start3A_175 : memref<1x80xi32, #tpu.memory_space<vmem>> -> memref<80xi32, #tpu.memory_space<vmem>>
      %dma_start3A_177 = arith.constant 0 : i32
      %dma_start3A_178 = arith.constant 0 : i32
      %dma_start3A_179 = tpu.memref_slice %arg3[%dma_start3A_177, %dma_start3A_178] : memref<10000x128xf32, #tpu.memory_space<hbm>> -> memref<10000x128xf32, #tpu.memory_space<hbm>>
      tpu.enqueue_indirect_dma source(%dma_start3A_179 : memref<10000x128xf32, #tpu.memory_space<hbm>>) target(%dma_start3A_173 : memref<80x128xf32, #tpu.memory_space<vmem>>) offsets(%dma_start3A_176 : memref<80xi32, #tpu.memory_space<vmem>>) semaphore(%arg15 : memref<!tpu.dma_semaphore, #tpu.memory_space<semaphore_mem>>)
      %dma_wait3A_180 = arith.constant 0 : i32
      %dma_wait3A_181 = arith.constant 0 : i32
      %dma_wait3A_182 = arith.constant 0 : i32
      %dma_wait3A_183 = arith.constant 0 : i32
      %dma_wait3A_184 = tpu.memref_slice %arg10[%dma_wait3A_181, %dma_wait3A_182, %dma_wait3A_183] : memref<2x80x128xf32, #tpu.memory_space<vmem>> -> memref<1x80x128xf32, #tpu.memory_space<vmem>>
      %dma_wait3A_185 = tpu.memref_squeeze %dma_wait3A_184 : memref<1x80x128xf32, #tpu.memory_space<vmem>> -> memref<80x128xf32, #tpu.memory_space<vmem>>
      %dma_wait3A_186 = arith.constant 0 : i32
      %dma_wait3A_187 = tpu.memref_slice %arg8[%dma_wait3A_180, %dma_wait3A_186] : memref<2x80xi32, #tpu.memory_space<vmem>> -> memref<1x80xi32, #tpu.memory_space<vmem>>
      %dma_wait3A_188 = tpu.memref_squeeze %dma_wait3A_187 : memref<1x80xi32, #tpu.memory_space<vmem>> -> memref<80xi32, #tpu.memory_space<vmem>>
      %dma_wait3A_189 = arith.constant 0 : i32
      %dma_wait3A_190 = arith.constant 0 : i32
      %dma_wait3A_191 = tpu.memref_slice %arg2[%dma_wait3A_189, %dma_wait3A_190] : memref<10000x128xf32, #tpu.memory_space<hbm>> -> memref<10000x128xf32, #tpu.memory_space<hbm>>
      tpu.wait_indirect_dma semaphore(%arg12 : memref<!tpu.dma_semaphore, #tpu.memory_space<semaphore_mem>>) src(%dma_wait3A_191 : memref<10000x128xf32, #tpu.memory_space<hbm>>) dst(%dma_wait3A_185 : memref<80x128xf32, #tpu.memory_space<vmem>>)
      %dma_wait3A_192 = arith.constant 0 : i32
      %dma_wait3A_193 = arith.constant 0 : i32
      %dma_wait3A_194 = arith.constant 0 : i32
      %dma_wait3A_195 = arith.constant 0 : i32
      %dma_wait3A_196 = tpu.memref_slice %arg11[%dma_wait3A_193, %dma_wait3A_194, %dma_wait3A_195] : memref<2x80x128xf32, #tpu.memory_space<vmem>> -> memref<1x80x128xf32, #tpu.memory_space<vmem>>
      %dma_wait3A_197 = tpu.memref_squeeze %dma_wait3A_196 : memref<1x80x128xf32, #tpu.memory_space<vmem>> -> memref<80x128xf32, #tpu.memory_space<vmem>>
      %dma_wait3A_198 = arith.constant 0 : i32
      %dma_wait3A_199 = tpu.memref_slice %arg9[%dma_wait3A_192, %dma_wait3A_198] : memref<2x80xi32, #tpu.memory_space<vmem>> -> memref<1x80xi32, #tpu.memory_space<vmem>>
      %dma_wait3A_200 = tpu.memref_squeeze %dma_wait3A_199 : memref<1x80xi32, #tpu.memory_space<vmem>> -> memref<80xi32, #tpu.memory_space<vmem>>
      %dma_wait3A_201 = arith.constant 0 : i32
      %dma_wait3A_202 = arith.constant 0 : i32
      %dma_wait3A_203 = tpu.memref_slice %arg3[%dma_wait3A_201, %dma_wait3A_202] : memref<10000x128xf32, #tpu.memory_space<hbm>> -> memref<10000x128xf32, #tpu.memory_space<hbm>>
      tpu.wait_indirect_dma semaphore(%arg14 : memref<!tpu.dma_semaphore, #tpu.memory_space<semaphore_mem>>) src(%dma_wait3A_203 : memref<10000x128xf32, #tpu.memory_space<hbm>>) dst(%dma_wait3A_197 : memref<80x128xf32, #tpu.memory_space<vmem>>)
      %mul3A_204 = arith.constant 80 : i32
      %mul3A_205 = arith.muli %mul3A_143, %mul3A_204 : i32
      %add3A_206 = arith.addi %mul3A_2, %mul3A_205 : i32
      %dma_start3A_207 = arith.constant 0 : i32
      %dma_start3A_208 = arith.constant 0 : i32
      %dma_start3A_209 = arith.constant 0 : i32
      %dma_start3A_210 = tpu.memref_slice %arg10[%dma_start3A_207, %dma_start3A_208, %dma_start3A_209] : memref<2x80x128xf32, #tpu.memory_space<vmem>> -> memref<1x80x128xf32, #tpu.memory_space<vmem>>
      %dma_start3A_211 = tpu.memref_squeeze %dma_start3A_210 : memref<1x80x128xf32, #tpu.memory_space<vmem>> -> memref<80x128xf32, #tpu.memory_space<vmem>>
      %dma_start3A_212 = arith.constant 0 : i32
      %dma_start3A_213 = tpu.memref_slice %arg6[%add3A_206, %dma_start3A_212] : memref<320000x128xf32, #tpu.memory_space<hbm>> -> memref<80x128xf32, #tpu.memory_space<hbm>>
      %dma_start3A_214 = arith.constant 0 : i32
      %dma_start3A_215 = tpu.memref_slice %arg6[%add3A_206, %dma_start3A_214] : memref<320000x128xf32, #tpu.memory_space<hbm>> -> memref<80x128xf32, #tpu.memory_space<hbm>>
      %dma_start3A_216 = arith.constant 0 : i32
      %dma_start3A_217 = arith.constant 0 : i32
      %dma_start3A_218 = tpu.memref_slice %arg10[%dma_start3A_207, %dma_start3A_216, %dma_start3A_217] : memref<2x80x128xf32, #tpu.memory_space<vmem>> -> memref<1x80x128xf32, #tpu.memory_space<vmem>>
      %dma_start3A_219 = tpu.memref_squeeze %dma_start3A_218 : memref<1x80x128xf32, #tpu.memory_space<vmem>> -> memref<80x128xf32, #tpu.memory_space<vmem>>
      tpu.enqueue_dma source(%dma_start3A_219 : memref<80x128xf32, #tpu.memory_space<vmem>>) target(%dma_start3A_215 : memref<80x128xf32, #tpu.memory_space<hbm>>) target_semaphore(%arg16 : memref<!tpu.dma_semaphore, #tpu.memory_space<semaphore_mem>>)
      %mul3A_220 = arith.constant 80 : i32
      %mul3A_221 = arith.muli %mul3A_143, %mul3A_220 : i32
      %add3A_222 = arith.addi %mul3A_2, %mul3A_221 : i32
      %dma_start3A_223 = arith.constant 0 : i32
      %dma_start3A_224 = arith.constant 0 : i32
      %dma_start3A_225 = arith.constant 0 : i32
      %dma_start3A_226 = tpu.memref_slice %arg11[%dma_start3A_223, %dma_start3A_224, %dma_start3A_225] : memref<2x80x128xf32, #tpu.memory_space<vmem>> -> memref<1x80x128xf32, #tpu.memory_space<vmem>>
      %dma_start3A_227 = tpu.memref_squeeze %dma_start3A_226 : memref<1x80x128xf32, #tpu.memory_space<vmem>> -> memref<80x128xf32, #tpu.memory_space<vmem>>
      %dma_start3A_228 = arith.constant 0 : i32
      %dma_start3A_229 = tpu.memref_slice %arg7[%add3A_222, %dma_start3A_228] : memref<320000x128xf32, #tpu.memory_space<hbm>> -> memref<80x128xf32, #tpu.memory_space<hbm>>
      %dma_start3A_230 = arith.constant 0 : i32
      %dma_start3A_231 = tpu.memref_slice %arg7[%add3A_222, %dma_start3A_230] : memref<320000x128xf32, #tpu.memory_space<hbm>> -> memref<80x128xf32, #tpu.memory_space<hbm>>
      %dma_start3A_232 = arith.constant 0 : i32
      %dma_start3A_233 = arith.constant 0 : i32
      %dma_start3A_234 = tpu.memref_slice %arg11[%dma_start3A_223, %dma_start3A_232, %dma_start3A_233] : memref<2x80x128xf32, #tpu.memory_space<vmem>> -> memref<1x80x128xf32, #tpu.memory_space<vmem>>
      %dma_start3A_235 = tpu.memref_squeeze %dma_start3A_234 : memref<1x80x128xf32, #tpu.memory_space<vmem>> -> memref<80x128xf32, #tpu.memory_space<vmem>>
      tpu.enqueue_dma source(%dma_start3A_235 : memref<80x128xf32, #tpu.memory_space<vmem>>) target(%dma_start3A_231 : memref<80x128xf32, #tpu.memory_space<hbm>>) target_semaphore(%arg18 : memref<!tpu.dma_semaphore, #tpu.memory_space<semaphore_mem>>)
      %add3A_236 = arith.constant 2 : i32
      %add3A_237 = arith.addi %mul3A_143, %add3A_236 : i32
      %lt3A = arith.constant 125 : i32
      %lt3A_238 = arith.cmpi slt, %add3A_237, %lt3A : i32
      %convert_element_type3A_239 = arith.extui %lt3A_238 : i1 to i32
      %cond3A_240 = arith.constant 0 : i32
      %cond3A_241 = arith.cmpi ne, %convert_element_type3A_239, %cond3A_240 : i32
      scf.if %cond3A_241 {
        %dma_wait3A_300 = arith.constant 0 : i32
        %dma_wait3A_301 = arith.constant 0 : i32
        %dma_wait3A_302 = arith.constant 0 : i32
        %dma_wait3A_303 = tpu.memref_slice %arg10[%dma_wait3A_300, %dma_wait3A_301, %dma_wait3A_302] : memref<2x80x128xf32, #tpu.memory_space<vmem>> -> memref<1x80x128xf32, #tpu.memory_space<vmem>>
        %dma_wait3A_304 = tpu.memref_squeeze %dma_wait3A_303 : memref<1x80x128xf32, #tpu.memory_space<vmem>> -> memref<80x128xf32, #tpu.memory_space<vmem>>
        %dma_wait3A_305 = arith.constant 0 : i32
        %dma_wait3A_306 = tpu.memref_slice %arg6[%mul3A_2, %dma_wait3A_305] : memref<320000x128xf32, #tpu.memory_space<hbm>> -> memref<80x128xf32, #tpu.memory_space<hbm>>
        %dma_wait3A_307 = arith.constant 0 : i32
        %dma_wait3A_308 = tpu.memref_slice %arg6[%mul3A_2, %dma_wait3A_307] : memref<320000x128xf32, #tpu.memory_space<hbm>> -> memref<80x128xf32, #tpu.memory_space<hbm>>
        %dma_wait3A_309 = arith.constant 0 : i32
        %dma_wait3A_310 = arith.constant 0 : i32
        %dma_wait3A_311 = tpu.memref_slice %arg10[%dma_wait3A_300, %dma_wait3A_309, %dma_wait3A_310] : memref<2x80x128xf32, #tpu.memory_space<vmem>> -> memref<1x80x128xf32, #tpu.memory_space<vmem>>
        %dma_wait3A_312 = tpu.memref_squeeze %dma_wait3A_311 : memref<1x80x128xf32, #tpu.memory_space<vmem>> -> memref<80x128xf32, #tpu.memory_space<vmem>>
        tpu.wait_dma2 semaphore(%arg16 : memref<!tpu.dma_semaphore, #tpu.memory_space<semaphore_mem>>) src(%dma_wait3A_312 : memref<80x128xf32, #tpu.memory_space<vmem>>) dst(%dma_wait3A_308 : memref<80x128xf32, #tpu.memory_space<hbm>>)
        %dma_wait3A_313 = arith.constant 0 : i32
        %dma_wait3A_314 = arith.constant 0 : i32
        %dma_wait3A_315 = arith.constant 0 : i32
        %dma_wait3A_316 = tpu.memref_slice %arg11[%dma_wait3A_313, %dma_wait3A_314, %dma_wait3A_315] : memref<2x80x128xf32, #tpu.memory_space<vmem>> -> memref<1x80x128xf32, #tpu.memory_space<vmem>>
        %dma_wait3A_317 = tpu.memref_squeeze %dma_wait3A_316 : memref<1x80x128xf32, #tpu.memory_space<vmem>> -> memref<80x128xf32, #tpu.memory_space<vmem>>
        %dma_wait3A_318 = arith.constant 0 : i32
        %dma_wait3A_319 = tpu.memref_slice %arg7[%mul3A_2, %dma_wait3A_318] : memref<320000x128xf32, #tpu.memory_space<hbm>> -> memref<80x128xf32, #tpu.memory_space<hbm>>
        %dma_wait3A_320 = arith.constant 0 : i32
        %dma_wait3A_321 = tpu.memref_slice %arg7[%mul3A_2, %dma_wait3A_320] : memref<320000x128xf32, #tpu.memory_space<hbm>> -> memref<80x128xf32, #tpu.memory_space<hbm>>
        %dma_wait3A_322 = arith.constant 0 : i32
        %dma_wait3A_323 = arith.constant 0 : i32
        %dma_wait3A_324 = tpu.memref_slice %arg11[%dma_wait3A_313, %dma_wait3A_322, %dma_wait3A_323] : memref<2x80x128xf32, #tpu.memory_space<vmem>> -> memref<1x80x128xf32, #tpu.memory_space<vmem>>
        %dma_wait3A_325 = tpu.memref_squeeze %dma_wait3A_324 : memref<1x80x128xf32, #tpu.memory_space<vmem>> -> memref<80x128xf32, #tpu.memory_space<vmem>>
        tpu.wait_dma2 semaphore(%arg18 : memref<!tpu.dma_semaphore, #tpu.memory_space<semaphore_mem>>) src(%dma_wait3A_325 : memref<80x128xf32, #tpu.memory_space<vmem>>) dst(%dma_wait3A_321 : memref<80x128xf32, #tpu.memory_space<hbm>>)
        %add3A_326 = arith.constant 2 : i32
        %add3A_327 = arith.addi %mul3A_143, %add3A_326 : i32
        %mul3A_328 = arith.constant 80 : i32
        %mul3A_329 = arith.muli %add3A_327, %mul3A_328 : i32
        %add3A_330 = arith.addi %mul3A_2, %mul3A_329 : i32
        %run_scoped3A_331 = arith.constant 0 : i32
        "tpu.region"() ({
          %run_scoped3A_360 = tpu.sem_alloc : memref<!tpu.dma_semaphore, #tpu.memory_space<semaphore_mem>>
          %dma_start3A_361 = arith.constant 0 : i32
          %dma_start3A_362 = tpu.memref_slice %arg8[%run_scoped3A_331, %dma_start3A_361] : memref<2x80xi32, #tpu.memory_space<vmem>> -> memref<1x80xi32, #tpu.memory_space<vmem>>
          %dma_start3A_363 = tpu.memref_squeeze %dma_start3A_362 : memref<1x80xi32, #tpu.memory_space<vmem>> -> memref<80xi32, #tpu.memory_space<vmem>>
          %dma_start3A_364 = tpu.memref_slice %arg4[%add3A_330] : memref<320000xi32, #tpu.memory_space<hbm>> -> memref<80xi32, #tpu.memory_space<hbm>>
          %dma_start3A_365 = arith.constant 0 : i32
          %dma_start3A_366 = tpu.memref_slice %arg8[%run_scoped3A_331, %dma_start3A_365] : memref<2x80xi32, #tpu.memory_space<vmem>> -> memref<1x80xi32, #tpu.memory_space<vmem>>
          %dma_start3A_367 = tpu.memref_squeeze %dma_start3A_366 : memref<1x80xi32, #tpu.memory_space<vmem>> -> memref<80xi32, #tpu.memory_space<vmem>>
          %dma_start3A_368 = tpu.memref_slice %arg4[%add3A_330] : memref<320000xi32, #tpu.memory_space<hbm>> -> memref<80xi32, #tpu.memory_space<hbm>>
          tpu.enqueue_dma source(%dma_start3A_368 : memref<80xi32, #tpu.memory_space<hbm>>) target(%dma_start3A_367 : memref<80xi32, #tpu.memory_space<vmem>>) target_semaphore(%run_scoped3A_360 : memref<!tpu.dma_semaphore, #tpu.memory_space<semaphore_mem>>)
          %dma_wait3A_369 = arith.constant 0 : i32
          %dma_wait3A_370 = tpu.memref_slice %arg8[%run_scoped3A_331, %dma_wait3A_369] : memref<2x80xi32, #tpu.memory_space<vmem>> -> memref<1x80xi32, #tpu.memory_space<vmem>>
          %dma_wait3A_371 = tpu.memref_squeeze %dma_wait3A_370 : memref<1x80xi32, #tpu.memory_space<vmem>> -> memref<80xi32, #tpu.memory_space<vmem>>
          %dma_wait3A_372 = tpu.memref_slice %arg4[%add3A_330] : memref<320000xi32, #tpu.memory_space<hbm>> -> memref<80xi32, #tpu.memory_space<hbm>>
          %dma_wait3A_373 = arith.constant 0 : i32
          %dma_wait3A_374 = tpu.memref_slice %arg8[%run_scoped3A_331, %dma_wait3A_373] : memref<2x80xi32, #tpu.memory_space<vmem>> -> memref<1x80xi32, #tpu.memory_space<vmem>>
          %dma_wait3A_375 = tpu.memref_squeeze %dma_wait3A_374 : memref<1x80xi32, #tpu.memory_space<vmem>> -> memref<80xi32, #tpu.memory_space<vmem>>
          %dma_wait3A_376 = tpu.memref_slice %arg4[%add3A_330] : memref<320000xi32, #tpu.memory_space<hbm>> -> memref<80xi32, #tpu.memory_space<hbm>>
          tpu.wait_dma2 semaphore(%run_scoped3A_360 : memref<!tpu.dma_semaphore, #tpu.memory_space<semaphore_mem>>) src(%dma_wait3A_376 : memref<80xi32, #tpu.memory_space<hbm>>) dst(%dma_wait3A_375 : memref<80xi32, #tpu.memory_space<vmem>>)
          tpu.yield
        }) : () -> ()
        %mul3A_332 = arith.constant 80 : i32
        %mul3A_333 = arith.muli %add3A_327, %mul3A_332 : i32
        %add3A_334 = arith.addi %mul3A_2, %mul3A_333 : i32
        %run_scoped3A_335 = arith.constant 0 : i32
        "tpu.region"() ({
          %run_scoped3A_360 = tpu.sem_alloc : memref<!tpu.dma_semaphore, #tpu.memory_space<semaphore_mem>>
          %dma_start3A_361 = arith.constant 0 : i32
          %dma_start3A_362 = tpu.memref_slice %arg9[%run_scoped3A_335, %dma_start3A_361] : memref<2x80xi32, #tpu.memory_space<vmem>> -> memref<1x80xi32, #tpu.memory_space<vmem>>
          %dma_start3A_363 = tpu.memref_squeeze %dma_start3A_362 : memref<1x80xi32, #tpu.memory_space<vmem>> -> memref<80xi32, #tpu.memory_space<vmem>>
          %dma_start3A_364 = tpu.memref_slice %arg5[%add3A_334] : memref<320000xi32, #tpu.memory_space<hbm>> -> memref<80xi32, #tpu.memory_space<hbm>>
          %dma_start3A_365 = arith.constant 0 : i32
          %dma_start3A_366 = tpu.memref_slice %arg9[%run_scoped3A_335, %dma_start3A_365] : memref<2x80xi32, #tpu.memory_space<vmem>> -> memref<1x80xi32, #tpu.memory_space<vmem>>
          %dma_start3A_367 = tpu.memref_squeeze %dma_start3A_366 : memref<1x80xi32, #tpu.memory_space<vmem>> -> memref<80xi32, #tpu.memory_space<vmem>>
          %dma_start3A_368 = tpu.memref_slice %arg5[%add3A_334] : memref<320000xi32, #tpu.memory_space<hbm>> -> memref<80xi32, #tpu.memory_space<hbm>>
          tpu.enqueue_dma source(%dma_start3A_368 : memref<80xi32, #tpu.memory_space<hbm>>) target(%dma_start3A_367 : memref<80xi32, #tpu.memory_space<vmem>>) target_semaphore(%run_scoped3A_360 : memref<!tpu.dma_semaphore, #tpu.memory_space<semaphore_mem>>)
          %dma_wait3A_369 = arith.constant 0 : i32
          %dma_wait3A_370 = tpu.memref_slice %arg9[%run_scoped3A_335, %dma_wait3A_369] : memref<2x80xi32, #tpu.memory_space<vmem>> -> memref<1x80xi32, #tpu.memory_space<vmem>>
          %dma_wait3A_371 = tpu.memref_squeeze %dma_wait3A_370 : memref<1x80xi32, #tpu.memory_space<vmem>> -> memref<80xi32, #tpu.memory_space<vmem>>
          %dma_wait3A_372 = tpu.memref_slice %arg5[%add3A_334] : memref<320000xi32, #tpu.memory_space<hbm>> -> memref<80xi32, #tpu.memory_space<hbm>>
          %dma_wait3A_373 = arith.constant 0 : i32
          %dma_wait3A_374 = tpu.memref_slice %arg9[%run_scoped3A_335, %dma_wait3A_373] : memref<2x80xi32, #tpu.memory_space<vmem>> -> memref<1x80xi32, #tpu.memory_space<vmem>>
          %dma_wait3A_375 = tpu.memref_squeeze %dma_wait3A_374 : memref<1x80xi32, #tpu.memory_space<vmem>> -> memref<80xi32, #tpu.memory_space<vmem>>
          %dma_wait3A_376 = tpu.memref_slice %arg5[%add3A_334] : memref<320000xi32, #tpu.memory_space<hbm>> -> memref<80xi32, #tpu.memory_space<hbm>>
          tpu.wait_dma2 semaphore(%run_scoped3A_360 : memref<!tpu.dma_semaphore, #tpu.memory_space<semaphore_mem>>) src(%dma_wait3A_376 : memref<80xi32, #tpu.memory_space<hbm>>) dst(%dma_wait3A_375 : memref<80xi32, #tpu.memory_space<vmem>>)
          tpu.yield
        }) : () -> ()
        %dma_start3A_336 = arith.constant 0 : i32
        %dma_start3A_337 = arith.constant 0 : i32
        %dma_start3A_338 = arith.constant 0 : i32
        %dma_start3A_339 = arith.constant 0 : i32
        %dma_start3A_340 = tpu.memref_slice %arg10[%dma_start3A_337, %dma_start3A_338, %dma_start3A_339] : memref<2x80x128xf32, #tpu.memory_space<vmem>> -> memref<1x80x128xf32, #tpu.memory_space<vmem>>
        %dma_start3A_341 = tpu.memref_squeeze %dma_start3A_340 : memref<1x80x128xf32, #tpu.memory_space<vmem>> -> memref<80x128xf32, #tpu.memory_space<vmem>>
        %dma_start3A_342 = arith.constant 0 : i32
        %dma_start3A_343 = tpu.memref_slice %arg8[%dma_start3A_336, %dma_start3A_342] : memref<2x80xi32, #tpu.memory_space<vmem>> -> memref<1x80xi32, #tpu.memory_space<vmem>>
        %dma_start3A_344 = tpu.memref_squeeze %dma_start3A_343 : memref<1x80xi32, #tpu.memory_space<vmem>> -> memref<80xi32, #tpu.memory_space<vmem>>
        %dma_start3A_345 = arith.constant 0 : i32
        %dma_start3A_346 = arith.constant 0 : i32
        %dma_start3A_347 = tpu.memref_slice %arg2[%dma_start3A_345, %dma_start3A_346] : memref<10000x128xf32, #tpu.memory_space<hbm>> -> memref<10000x128xf32, #tpu.memory_space<hbm>>
        tpu.enqueue_indirect_dma source(%dma_start3A_347 : memref<10000x128xf32, #tpu.memory_space<hbm>>) target(%dma_start3A_341 : memref<80x128xf32, #tpu.memory_space<vmem>>) offsets(%dma_start3A_344 : memref<80xi32, #tpu.memory_space<vmem>>) semaphore(%arg12 : memref<!tpu.dma_semaphore, #tpu.memory_space<semaphore_mem>>)
        %dma_start3A_348 = arith.constant 0 : i32
        %dma_start3A_349 = arith.constant 0 : i32
        %dma_start3A_350 = arith.constant 0 : i32
        %dma_start3A_351 = arith.constant 0 : i32
        %dma_start3A_352 = tpu.memref_slice %arg11[%dma_start3A_349, %dma_start3A_350, %dma_start3A_351] : memref<2x80x128xf32, #tpu.memory_space<vmem>> -> memref<1x80x128xf32, #tpu.memory_space<vmem>>
        %dma_start3A_353 = tpu.memref_squeeze %dma_start3A_352 : memref<1x80x128xf32, #tpu.memory_space<vmem>> -> memref<80x128xf32, #tpu.memory_space<vmem>>
        %dma_start3A_354 = arith.constant 0 : i32
        %dma_start3A_355 = tpu.memref_slice %arg9[%dma_start3A_348, %dma_start3A_354] : memref<2x80xi32, #tpu.memory_space<vmem>> -> memref<1x80xi32, #tpu.memory_space<vmem>>
        %dma_start3A_356 = tpu.memref_squeeze %dma_start3A_355 : memref<1x80xi32, #tpu.memory_space<vmem>> -> memref<80xi32, #tpu.memory_space<vmem>>
        %dma_start3A_357 = arith.constant 0 : i32
        %dma_start3A_358 = arith.constant 0 : i32
        %dma_start3A_359 = tpu.memref_slice %arg3[%dma_start3A_357, %dma_start3A_358] : memref<10000x128xf32, #tpu.memory_space<hbm>> -> memref<10000x128xf32, #tpu.memory_space<hbm>>
        tpu.enqueue_indirect_dma source(%dma_start3A_359 : memref<10000x128xf32, #tpu.memory_space<hbm>>) target(%dma_start3A_353 : memref<80x128xf32, #tpu.memory_space<vmem>>) offsets(%dma_start3A_356 : memref<80xi32, #tpu.memory_space<vmem>>) semaphore(%arg14 : memref<!tpu.dma_semaphore, #tpu.memory_space<semaphore_mem>>)
      } else {
      }
      %dma_wait3A_242 = arith.constant 1 : i32
      %dma_wait3A_243 = arith.constant 1 : i32
      %dma_wait3A_244 = arith.constant 0 : i32
      %dma_wait3A_245 = arith.constant 0 : i32
      %dma_wait3A_246 = tpu.memref_slice %arg10[%dma_wait3A_243, %dma_wait3A_244, %dma_wait3A_245] : memref<2x80x128xf32, #tpu.memory_space<vmem>> -> memref<1x80x128xf32, #tpu.memory_space<vmem>>
      %dma_wait3A_247 = tpu.memref_squeeze %dma_wait3A_246 : memref<1x80x128xf32, #tpu.memory_space<vmem>> -> memref<80x128xf32, #tpu.memory_space<vmem>>
      %dma_wait3A_248 = arith.constant 0 : i32
      %dma_wait3A_249 = tpu.memref_slice %arg8[%dma_wait3A_242, %dma_wait3A_248] : memref<2x80xi32, #tpu.memory_space<vmem>> -> memref<1x80xi32, #tpu.memory_space<vmem>>
      %dma_wait3A_250 = tpu.memref_squeeze %dma_wait3A_249 : memref<1x80xi32, #tpu.memory_space<vmem>> -> memref<80xi32, #tpu.memory_space<vmem>>
      %dma_wait3A_251 = arith.constant 0 : i32
      %dma_wait3A_252 = arith.constant 0 : i32
      %dma_wait3A_253 = tpu.memref_slice %arg2[%dma_wait3A_251, %dma_wait3A_252] : memref<10000x128xf32, #tpu.memory_space<hbm>> -> memref<10000x128xf32, #tpu.memory_space<hbm>>
      tpu.wait_indirect_dma semaphore(%arg13 : memref<!tpu.dma_semaphore, #tpu.memory_space<semaphore_mem>>) src(%dma_wait3A_253 : memref<10000x128xf32, #tpu.memory_space<hbm>>) dst(%dma_wait3A_247 : memref<80x128xf32, #tpu.memory_space<vmem>>)
      %dma_wait3A_254 = arith.constant 1 : i32
      %dma_wait3A_255 = arith.constant 1 : i32
      %dma_wait3A_256 = arith.constant 0 : i32
      %dma_wait3A_257 = arith.constant 0 : i32
      %dma_wait3A_258 = tpu.memref_slice %arg11[%dma_wait3A_255, %dma_wait3A_256, %dma_wait3A_257] : memref<2x80x128xf32, #tpu.memory_space<vmem>> -> memref<1x80x128xf32, #tpu.memory_space<vmem>>
      %dma_wait3A_259 = tpu.memref_squeeze %dma_wait3A_258 : memref<1x80x128xf32, #tpu.memory_space<vmem>> -> memref<80x128xf32, #tpu.memory_space<vmem>>
      %dma_wait3A_260 = arith.constant 0 : i32
      %dma_wait3A_261 = tpu.memref_slice %arg9[%dma_wait3A_254, %dma_wait3A_260] : memref<2x80xi32, #tpu.memory_space<vmem>> -> memref<1x80xi32, #tpu.memory_space<vmem>>
      %dma_wait3A_262 = tpu.memref_squeeze %dma_wait3A_261 : memref<1x80xi32, #tpu.memory_space<vmem>> -> memref<80xi32, #tpu.memory_space<vmem>>
      %dma_wait3A_263 = arith.constant 0 : i32
      %dma_wait3A_264 = arith.constant 0 : i32
      %dma_wait3A_265 = tpu.memref_slice %arg3[%dma_wait3A_263, %dma_wait3A_264] : memref<10000x128xf32, #tpu.memory_space<hbm>> -> memref<10000x128xf32, #tpu.memory_space<hbm>>
      tpu.wait_indirect_dma semaphore(%arg15 : memref<!tpu.dma_semaphore, #tpu.memory_space<semaphore_mem>>) src(%dma_wait3A_265 : memref<10000x128xf32, #tpu.memory_space<hbm>>) dst(%dma_wait3A_259 : memref<80x128xf32, #tpu.memory_space<vmem>>)
      %add3A_266 = arith.constant 1 : i32
      %add3A_267 = arith.addi %mul3A_143, %add3A_266 : i32
      %mul3A_268 = arith.constant 80 : i32
      %mul3A_269 = arith.muli %add3A_267, %mul3A_268 : i32
      %add3A_270 = arith.addi %mul3A_2, %mul3A_269 : i32
      %dma_start3A_271 = arith.constant 1 : i32
      %dma_start3A_272 = arith.constant 0 : i32
      %dma_start3A_273 = arith.constant 0 : i32
      %dma_start3A_274 = tpu.memref_slice %arg10[%dma_start3A_271, %dma_start3A_272, %dma_start3A_273] : memref<2x80x128xf32, #tpu.memory_space<vmem>> -> memref<1x80x128xf32, #tpu.memory_space<vmem>>
      %dma_start3A_275 = tpu.memref_squeeze %dma_start3A_274 : memref<1x80x128xf32, #tpu.memory_space<vmem>> -> memref<80x128xf32, #tpu.memory_space<vmem>>
      %dma_start3A_276 = arith.constant 0 : i32
      %dma_start3A_277 = tpu.memref_slice %arg6[%add3A_270, %dma_start3A_276] : memref<320000x128xf32, #tpu.memory_space<hbm>> -> memref<80x128xf32, #tpu.memory_space<hbm>>
      %dma_start3A_278 = arith.constant 0 : i32
      %dma_start3A_279 = tpu.memref_slice %arg6[%add3A_270, %dma_start3A_278] : memref<320000x128xf32, #tpu.memory_space<hbm>> -> memref<80x128xf32, #tpu.memory_space<hbm>>
      %dma_start3A_280 = arith.constant 0 : i32
      %dma_start3A_281 = arith.constant 0 : i32
      %dma_start3A_282 = tpu.memref_slice %arg10[%dma_start3A_271, %dma_start3A_280, %dma_start3A_281] : memref<2x80x128xf32, #tpu.memory_space<vmem>> -> memref<1x80x128xf32, #tpu.memory_space<vmem>>
      %dma_start3A_283 = tpu.memref_squeeze %dma_start3A_282 : memref<1x80x128xf32, #tpu.memory_space<vmem>> -> memref<80x128xf32, #tpu.memory_space<vmem>>
      tpu.enqueue_dma source(%dma_start3A_283 : memref<80x128xf32, #tpu.memory_space<vmem>>) target(%dma_start3A_279 : memref<80x128xf32, #tpu.memory_space<hbm>>) target_semaphore(%arg17 : memref<!tpu.dma_semaphore, #tpu.memory_space<semaphore_mem>>)
      %mul3A_284 = arith.constant 80 : i32
      %mul3A_285 = arith.muli %add3A_267, %mul3A_284 : i32
      %add3A_286 = arith.addi %mul3A_2, %mul3A_285 : i32
      %dma_start3A_287 = arith.constant 1 : i32
      %dma_start3A_288 = arith.constant 0 : i32
      %dma_start3A_289 = arith.constant 0 : i32
      %dma_start3A_290 = tpu.memref_slice %arg11[%dma_start3A_287, %dma_start3A_288, %dma_start3A_289] : memref<2x80x128xf32, #tpu.memory_space<vmem>> -> memref<1x80x128xf32, #tpu.memory_space<vmem>>
      %dma_start3A_291 = tpu.memref_squeeze %dma_start3A_290 : memref<1x80x128xf32, #tpu.memory_space<vmem>> -> memref<80x128xf32, #tpu.memory_space<vmem>>
      %dma_start3A_292 = arith.constant 0 : i32
      %dma_start3A_293 = tpu.memref_slice %arg7[%add3A_286, %dma_start3A_292] : memref<320000x128xf32, #tpu.memory_space<hbm>> -> memref<80x128xf32, #tpu.memory_space<hbm>>
      %dma_start3A_294 = arith.constant 0 : i32
      %dma_start3A_295 = tpu.memref_slice %arg7[%add3A_286, %dma_start3A_294] : memref<320000x128xf32, #tpu.memory_space<hbm>> -> memref<80x128xf32, #tpu.memory_space<hbm>>
      %dma_start3A_296 = arith.constant 0 : i32
      %dma_start3A_297 = arith.constant 0 : i32
      %dma_start3A_298 = tpu.memref_slice %arg11[%dma_start3A_287, %dma_start3A_296, %dma_start3A_297] : memref<2x80x128xf32, #tpu.memory_space<vmem>> -> memref<1x80x128xf32, #tpu.memory_space<vmem>>
      %dma_start3A_299 = tpu.memref_squeeze %dma_start3A_298 : memref<1x80x128xf32, #tpu.memory_space<vmem>> -> memref<80x128xf32, #tpu.memory_space<vmem>>
      tpu.enqueue_dma source(%dma_start3A_299 : memref<80x128xf32, #tpu.memory_space<vmem>>) target(%dma_start3A_295 : memref<80x128xf32, #tpu.memory_space<hbm>>) target_semaphore(%arg19 : memref<!tpu.dma_semaphore, #tpu.memory_space<semaphore_mem>>)
    }
    %scan3A_35 = arith.constant 62 : i32
    %dma_wait3A = arith.constant 0 : i32
    %dma_wait3A_36 = arith.constant 0 : i32
    %dma_wait3A_37 = arith.constant 0 : i32
    %dma_wait3A_38 = arith.constant 0 : i32
    %dma_wait3A_39 = tpu.memref_slice %arg10[%dma_wait3A_36, %dma_wait3A_37, %dma_wait3A_38] : memref<2x80x128xf32, #tpu.memory_space<vmem>> -> memref<1x80x128xf32, #tpu.memory_space<vmem>>
    %dma_wait3A_40 = tpu.memref_squeeze %dma_wait3A_39 : memref<1x80x128xf32, #tpu.memory_space<vmem>> -> memref<80x128xf32, #tpu.memory_space<vmem>>
    %dma_wait3A_41 = arith.constant 0 : i32
    %dma_wait3A_42 = tpu.memref_slice %arg8[%dma_wait3A, %dma_wait3A_41] : memref<2x80xi32, #tpu.memory_space<vmem>> -> memref<1x80xi32, #tpu.memory_space<vmem>>
    %dma_wait3A_43 = tpu.memref_squeeze %dma_wait3A_42 : memref<1x80xi32, #tpu.memory_space<vmem>> -> memref<80xi32, #tpu.memory_space<vmem>>
    %dma_wait3A_44 = arith.constant 0 : i32
    %dma_wait3A_45 = arith.constant 0 : i32
    %dma_wait3A_46 = tpu.memref_slice %arg2[%dma_wait3A_44, %dma_wait3A_45] : memref<10000x128xf32, #tpu.memory_space<hbm>> -> memref<10000x128xf32, #tpu.memory_space<hbm>>
    tpu.wait_indirect_dma semaphore(%arg12 : memref<!tpu.dma_semaphore, #tpu.memory_space<semaphore_mem>>) src(%dma_wait3A_46 : memref<10000x128xf32, #tpu.memory_space<hbm>>) dst(%dma_wait3A_40 : memref<80x128xf32, #tpu.memory_space<vmem>>)
    %dma_wait3A_47 = arith.constant 0 : i32
    %dma_wait3A_48 = arith.constant 0 : i32
    %dma_wait3A_49 = arith.constant 0 : i32
    %dma_wait3A_50 = arith.constant 0 : i32
    %dma_wait3A_51 = tpu.memref_slice %arg11[%dma_wait3A_48, %dma_wait3A_49, %dma_wait3A_50] : memref<2x80x128xf32, #tpu.memory_space<vmem>> -> memref<1x80x128xf32, #tpu.memory_space<vmem>>
    %dma_wait3A_52 = tpu.memref_squeeze %dma_wait3A_51 : memref<1x80x128xf32, #tpu.memory_space<vmem>> -> memref<80x128xf32, #tpu.memory_space<vmem>>
    %dma_wait3A_53 = arith.constant 0 : i32
    %dma_wait3A_54 = tpu.memref_slice %arg9[%dma_wait3A_47, %dma_wait3A_53] : memref<2x80xi32, #tpu.memory_space<vmem>> -> memref<1x80xi32, #tpu.memory_space<vmem>>
    %dma_wait3A_55 = tpu.memref_squeeze %dma_wait3A_54 : memref<1x80xi32, #tpu.memory_space<vmem>> -> memref<80xi32, #tpu.memory_space<vmem>>
    %dma_wait3A_56 = arith.constant 0 : i32
    %dma_wait3A_57 = arith.constant 0 : i32
    %dma_wait3A_58 = tpu.memref_slice %arg3[%dma_wait3A_56, %dma_wait3A_57] : memref<10000x128xf32, #tpu.memory_space<hbm>> -> memref<10000x128xf32, #tpu.memory_space<hbm>>
    tpu.wait_indirect_dma semaphore(%arg14 : memref<!tpu.dma_semaphore, #tpu.memory_space<semaphore_mem>>) src(%dma_wait3A_58 : memref<10000x128xf32, #tpu.memory_space<hbm>>) dst(%dma_wait3A_52 : memref<80x128xf32, #tpu.memory_space<vmem>>)
    %add3A_59 = arith.constant 9920 : i32
    %add3A_60 = arith.addi %mul3A_2, %add3A_59 : i32
    %dma_start3A_61 = arith.constant 0 : i32
    %dma_start3A_62 = arith.constant 0 : i32
    %dma_start3A_63 = arith.constant 0 : i32
    %dma_start3A_64 = tpu.memref_slice %arg10[%dma_start3A_61, %dma_start3A_62, %dma_start3A_63] : memref<2x80x128xf32, #tpu.memory_space<vmem>> -> memref<1x80x128xf32, #tpu.memory_space<vmem>>
    %dma_start3A_65 = tpu.memref_squeeze %dma_start3A_64 : memref<1x80x128xf32, #tpu.memory_space<vmem>> -> memref<80x128xf32, #tpu.memory_space<vmem>>
    %dma_start3A_66 = arith.constant 0 : i32
    %dma_start3A_67 = tpu.memref_slice %arg6[%add3A_60, %dma_start3A_66] : memref<320000x128xf32, #tpu.memory_space<hbm>> -> memref<80x128xf32, #tpu.memory_space<hbm>>
    %dma_start3A_68 = arith.constant 0 : i32
    %dma_start3A_69 = tpu.memref_slice %arg6[%add3A_60, %dma_start3A_68] : memref<320000x128xf32, #tpu.memory_space<hbm>> -> memref<80x128xf32, #tpu.memory_space<hbm>>
    %dma_start3A_70 = arith.constant 0 : i32
    %dma_start3A_71 = arith.constant 0 : i32
    %dma_start3A_72 = tpu.memref_slice %arg10[%dma_start3A_61, %dma_start3A_70, %dma_start3A_71] : memref<2x80x128xf32, #tpu.memory_space<vmem>> -> memref<1x80x128xf32, #tpu.memory_space<vmem>>
    %dma_start3A_73 = tpu.memref_squeeze %dma_start3A_72 : memref<1x80x128xf32, #tpu.memory_space<vmem>> -> memref<80x128xf32, #tpu.memory_space<vmem>>
    tpu.enqueue_dma source(%dma_start3A_73 : memref<80x128xf32, #tpu.memory_space<vmem>>) target(%dma_start3A_69 : memref<80x128xf32, #tpu.memory_space<hbm>>) target_semaphore(%arg16 : memref<!tpu.dma_semaphore, #tpu.memory_space<semaphore_mem>>)
    %add3A_74 = arith.constant 9920 : i32
    %add3A_75 = arith.addi %mul3A_2, %add3A_74 : i32
    %dma_start3A_76 = arith.constant 0 : i32
    %dma_start3A_77 = arith.constant 0 : i32
    %dma_start3A_78 = arith.constant 0 : i32
    %dma_start3A_79 = tpu.memref_slice %arg11[%dma_start3A_76, %dma_start3A_77, %dma_start3A_78] : memref<2x80x128xf32, #tpu.memory_space<vmem>> -> memref<1x80x128xf32, #tpu.memory_space<vmem>>
    %dma_start3A_80 = tpu.memref_squeeze %dma_start3A_79 : memref<1x80x128xf32, #tpu.memory_space<vmem>> -> memref<80x128xf32, #tpu.memory_space<vmem>>
    %dma_start3A_81 = arith.constant 0 : i32
    %dma_start3A_82 = tpu.memref_slice %arg7[%add3A_75, %dma_start3A_81] : memref<320000x128xf32, #tpu.memory_space<hbm>> -> memref<80x128xf32, #tpu.memory_space<hbm>>
    %dma_start3A_83 = arith.constant 0 : i32
    %dma_start3A_84 = tpu.memref_slice %arg7[%add3A_75, %dma_start3A_83] : memref<320000x128xf32, #tpu.memory_space<hbm>> -> memref<80x128xf32, #tpu.memory_space<hbm>>
    %dma_start3A_85 = arith.constant 0 : i32
    %dma_start3A_86 = arith.constant 0 : i32
    %dma_start3A_87 = tpu.memref_slice %arg11[%dma_start3A_76, %dma_start3A_85, %dma_start3A_86] : memref<2x80x128xf32, #tpu.memory_space<vmem>> -> memref<1x80x128xf32, #tpu.memory_space<vmem>>
    %dma_start3A_88 = tpu.memref_squeeze %dma_start3A_87 : memref<1x80x128xf32, #tpu.memory_space<vmem>> -> memref<80x128xf32, #tpu.memory_space<vmem>>
    tpu.enqueue_dma source(%dma_start3A_88 : memref<80x128xf32, #tpu.memory_space<vmem>>) target(%dma_start3A_84 : memref<80x128xf32, #tpu.memory_space<hbm>>) target_semaphore(%arg18 : memref<!tpu.dma_semaphore, #tpu.memory_space<semaphore_mem>>)
    %dma_wait3A_89 = arith.constant 0 : i32
    %dma_wait3A_90 = arith.constant 0 : i32
    %dma_wait3A_91 = arith.constant 0 : i32
    %dma_wait3A_92 = tpu.memref_slice %arg10[%dma_wait3A_89, %dma_wait3A_90, %dma_wait3A_91] : memref<2x80x128xf32, #tpu.memory_space<vmem>> -> memref<1x80x128xf32, #tpu.memory_space<vmem>>
    %dma_wait3A_93 = tpu.memref_squeeze %dma_wait3A_92 : memref<1x80x128xf32, #tpu.memory_space<vmem>> -> memref<80x128xf32, #tpu.memory_space<vmem>>
    %dma_wait3A_94 = arith.constant 0 : i32
    %dma_wait3A_95 = tpu.memref_slice %arg6[%mul3A_2, %dma_wait3A_94] : memref<320000x128xf32, #tpu.memory_space<hbm>> -> memref<80x128xf32, #tpu.memory_space<hbm>>
    %dma_wait3A_96 = arith.constant 0 : i32
    %dma_wait3A_97 = tpu.memref_slice %arg6[%mul3A_2, %dma_wait3A_96] : memref<320000x128xf32, #tpu.memory_space<hbm>> -> memref<80x128xf32, #tpu.memory_space<hbm>>
    %dma_wait3A_98 = arith.constant 0 : i32
    %dma_wait3A_99 = arith.constant 0 : i32
    %dma_wait3A_100 = tpu.memref_slice %arg10[%dma_wait3A_89, %dma_wait3A_98, %dma_wait3A_99] : memref<2x80x128xf32, #tpu.memory_space<vmem>> -> memref<1x80x128xf32, #tpu.memory_space<vmem>>
    %dma_wait3A_101 = tpu.memref_squeeze %dma_wait3A_100 : memref<1x80x128xf32, #tpu.memory_space<vmem>> -> memref<80x128xf32, #tpu.memory_space<vmem>>
    tpu.wait_dma2 semaphore(%arg16 : memref<!tpu.dma_semaphore, #tpu.memory_space<semaphore_mem>>) src(%dma_wait3A_101 : memref<80x128xf32, #tpu.memory_space<vmem>>) dst(%dma_wait3A_97 : memref<80x128xf32, #tpu.memory_space<hbm>>)
    %dma_wait3A_102 = arith.constant 0 : i32
    %dma_wait3A_103 = arith.constant 0 : i32
    %dma_wait3A_104 = arith.constant 0 : i32
    %dma_wait3A_105 = tpu.memref_slice %arg11[%dma_wait3A_102, %dma_wait3A_103, %dma_wait3A_104] : memref<2x80x128xf32, #tpu.memory_space<vmem>> -> memref<1x80x128xf32, #tpu.memory_space<vmem>>
    %dma_wait3A_106 = tpu.memref_squeeze %dma_wait3A_105 : memref<1x80x128xf32, #tpu.memory_space<vmem>> -> memref<80x128xf32, #tpu.memory_space<vmem>>
    %dma_wait3A_107 = arith.constant 0 : i32
    %dma_wait3A_108 = tpu.memref_slice %arg7[%mul3A_2, %dma_wait3A_107] : memref<320000x128xf32, #tpu.memory_space<hbm>> -> memref<80x128xf32, #tpu.memory_space<hbm>>
    %dma_wait3A_109 = arith.constant 0 : i32
    %dma_wait3A_110 = tpu.memref_slice %arg7[%mul3A_2, %dma_wait3A_109] : memref<320000x128xf32, #tpu.memory_space<hbm>> -> memref<80x128xf32, #tpu.memory_space<hbm>>
    %dma_wait3A_111 = arith.constant 0 : i32
    %dma_wait3A_112 = arith.constant 0 : i32
    %dma_wait3A_113 = tpu.memref_slice %arg11[%dma_wait3A_102, %dma_wait3A_111, %dma_wait3A_112] : memref<2x80x128xf32, #tpu.memory_space<vmem>> -> memref<1x80x128xf32, #tpu.memory_space<vmem>>
    %dma_wait3A_114 = tpu.memref_squeeze %dma_wait3A_113 : memref<1x80x128xf32, #tpu.memory_space<vmem>> -> memref<80x128xf32, #tpu.memory_space<vmem>>
    tpu.wait_dma2 semaphore(%arg18 : memref<!tpu.dma_semaphore, #tpu.memory_space<semaphore_mem>>) src(%dma_wait3A_114 : memref<80x128xf32, #tpu.memory_space<vmem>>) dst(%dma_wait3A_110 : memref<80x128xf32, #tpu.memory_space<hbm>>)
    %dma_wait3A_115 = arith.constant 1 : i32
    %dma_wait3A_116 = arith.constant 0 : i32
    %dma_wait3A_117 = arith.constant 0 : i32
    %dma_wait3A_118 = tpu.memref_slice %arg10[%dma_wait3A_115, %dma_wait3A_116, %dma_wait3A_117] : memref<2x80x128xf32, #tpu.memory_space<vmem>> -> memref<1x80x128xf32, #tpu.memory_space<vmem>>
    %dma_wait3A_119 = tpu.memref_squeeze %dma_wait3A_118 : memref<1x80x128xf32, #tpu.memory_space<vmem>> -> memref<80x128xf32, #tpu.memory_space<vmem>>
    %dma_wait3A_120 = arith.constant 0 : i32
    %dma_wait3A_121 = tpu.memref_slice %arg6[%mul3A_2, %dma_wait3A_120] : memref<320000x128xf32, #tpu.memory_space<hbm>> -> memref<80x128xf32, #tpu.memory_space<hbm>>
    %dma_wait3A_122 = arith.constant 0 : i32
    %dma_wait3A_123 = tpu.memref_slice %arg6[%mul3A_2, %dma_wait3A_122] : memref<320000x128xf32, #tpu.memory_space<hbm>> -> memref<80x128xf32, #tpu.memory_space<hbm>>
    %dma_wait3A_124 = arith.constant 0 : i32
    %dma_wait3A_125 = arith.constant 0 : i32
    %dma_wait3A_126 = tpu.memref_slice %arg10[%dma_wait3A_115, %dma_wait3A_124, %dma_wait3A_125] : memref<2x80x128xf32, #tpu.memory_space<vmem>> -> memref<1x80x128xf32, #tpu.memory_space<vmem>>
    %dma_wait3A_127 = tpu.memref_squeeze %dma_wait3A_126 : memref<1x80x128xf32, #tpu.memory_space<vmem>> -> memref<80x128xf32, #tpu.memory_space<vmem>>
    tpu.wait_dma2 semaphore(%arg17 : memref<!tpu.dma_semaphore, #tpu.memory_space<semaphore_mem>>) src(%dma_wait3A_127 : memref<80x128xf32, #tpu.memory_space<vmem>>) dst(%dma_wait3A_123 : memref<80x128xf32, #tpu.memory_space<hbm>>)
    %dma_wait3A_128 = arith.constant 1 : i32
    %dma_wait3A_129 = arith.constant 0 : i32
    %dma_wait3A_130 = arith.constant 0 : i32
    %dma_wait3A_131 = tpu.memref_slice %arg11[%dma_wait3A_128, %dma_wait3A_129, %dma_wait3A_130] : memref<2x80x128xf32, #tpu.memory_space<vmem>> -> memref<1x80x128xf32, #tpu.memory_space<vmem>>
    %dma_wait3A_132 = tpu.memref_squeeze %dma_wait3A_131 : memref<1x80x128xf32, #tpu.memory_space<vmem>> -> memref<80x128xf32, #tpu.memory_space<vmem>>
    %dma_wait3A_133 = arith.constant 0 : i32
    %dma_wait3A_134 = tpu.memref_slice %arg7[%mul3A_2, %dma_wait3A_133] : memref<320000x128xf32, #tpu.memory_space<hbm>> -> memref<80x128xf32, #tpu.memory_space<hbm>>
    %dma_wait3A_135 = arith.constant 0 : i32
    %dma_wait3A_136 = tpu.memref_slice %arg7[%mul3A_2, %dma_wait3A_135] : memref<320000x128xf32, #tpu.memory_space<hbm>> -> memref<80x128xf32, #tpu.memory_space<hbm>>
    %dma_wait3A_137 = arith.constant 0 : i32
    %dma_wait3A_138 = arith.constant 0 : i32
    %dma_wait3A_139 = tpu.memref_slice %arg11[%dma_wait3A_128, %dma_wait3A_137, %dma_wait3A_138] : memref<2x80x128xf32, #tpu.memory_space<vmem>> -> memref<1x80x128xf32, #tpu.memory_space<vmem>>
    %dma_wait3A_140 = tpu.memref_squeeze %dma_wait3A_139 : memref<1x80x128xf32, #tpu.memory_space<vmem>> -> memref<80x128xf32, #tpu.memory_space<vmem>>
    tpu.wait_dma2 semaphore(%arg19 : memref<!tpu.dma_semaphore, #tpu.memory_space<semaphore_mem>>) src(%dma_wait3A_140 : memref<80x128xf32, #tpu.memory_space<vmem>>) dst(%dma_wait3A_136 : memref<80x128xf32, #tpu.memory_space<hbm>>)
    return
  }
}

#map = affine_map<(d0, d1) -> (0, 0)>
#map1 = affine_map<(d0, d1) -> (0)>
#map2 = affine_map<(d0, d1) -> (0, 0, 0)>
module attributes {stable_mosaic.version = 14 : i64} {
  func.func @_sc_scatter(%arg0: i32, %arg1: i32, %arg2: memref<320000x128xf32, #tpu.memory_space<hbm>>, %arg3: memref<320000xi32, #tpu.memory_space<hbm>>, %arg4: memref<2x10000x128xf32, #tpu.memory_space<hbm>>, %arg5: memref<2x80xi32, #tpu.memory_space<vmem>>, %arg6: memref<2x80x128xf32, #tpu.memory_space<vmem>>, %arg7: memref<10000x128xf32, #tpu.memory_space<vmem_shared>>, %arg8: memref<!tpu.dma_semaphore, #tpu.memory_space<semaphore_mem>>, %arg9: memref<!tpu.dma_semaphore, #tpu.memory_space<semaphore_mem>>) attributes {dimension_semantics = [#tpu.dimension_semantics<core_parallel>, #tpu.dimension_semantics<subcore_parallel>], iteration_bounds = array<i64: 2, 16>, scalar_prefetch = 0 : i64, scratch_operands = 5 : i64, tpu.core_type = #tpu.core_type<sc_vector_subcore>, window_params = [{transform_indices = #map}, {transform_indices = #map1}, {transform_indices = #map2}]} {
    %mul3A = arith.constant 16 : i32
    %mul3A_0 = arith.muli %arg0, %mul3A : i32
    %add3A = arith.addi %mul3A_0, %arg1 : i32
    %mul3A_1 = arith.constant 10000 : i32
    %mul3A_2 = arith.muli %add3A, %mul3A_1 : i32
    %broadcast_in_dim3A = arith.constant 0.000000e+00 : f32
    %broadcast_in_dim3A_3 = vector.broadcast %broadcast_in_dim3A : f32 to vector<16xf32>
    %scan3A = arith.constant 0 : i32
    %scan3A_4 = arith.constant 0 : i32
    %scan3A_5 = arith.constant 80 : i32
    %scan3A_6 = arith.addi %scan3A_4, %scan3A_5 : i32
    %scan3A_7 = arith.constant 1 : i32
    scf.for %scan3A_58 = %scan3A_4 to %scan3A_6 step %scan3A_7  : i32 {
      %swap3A = arith.constant 0 : i32
      %swap3A_59 = arith.index_cast %swap3A : i32 to index
      %swap3A_60 = arith.index_cast %scan3A_58 : i32 to index
      %swap3A_61 = arith.constant 0 : index
      %swap3A_62 = tpu.vector_load %arg6[%swap3A_59, %swap3A_60, %swap3A_61] {strides = array<i32>} : memref<2x80x128xf32, #tpu.memory_space<vmem>>, vector<1x1x16xf32>,
      %swap3A_63 = vector.shape_cast %swap3A_62 : vector<1x1x16xf32> to vector<16xf32>
      %swap3A_64 = vector.shape_cast %broadcast_in_dim3A_3 : vector<16xf32> to vector<1x1x16xf32>
      tpu.vector_store %arg6[%swap3A_59, %swap3A_60, %swap3A_61], %swap3A_64 {strides = array<i32>} : memref<2x80x128xf32, #tpu.memory_space<vmem>>, vector<1x1x16xf32>,
      %swap3A_65 = arith.constant 0 : i32
      %swap3A_66 = arith.index_cast %swap3A_65 : i32 to index
      %swap3A_67 = arith.index_cast %scan3A_58 : i32 to index
      %swap3A_68 = arith.constant 16 : index
      %swap3A_69 = tpu.vector_load %arg6[%swap3A_66, %swap3A_67, %swap3A_68] {strides = array<i32>} : memref<2x80x128xf32, #tpu.memory_space<vmem>>, vector<1x1x16xf32>,
      %swap3A_70 = vector.shape_cast %swap3A_69 : vector<1x1x16xf32> to vector<16xf32>
      %swap3A_71 = vector.shape_cast %broadcast_in_dim3A_3 : vector<16xf32> to vector<1x1x16xf32>
      tpu.vector_store %arg6[%swap3A_66, %swap3A_67, %swap3A_68], %swap3A_71 {strides = array<i32>} : memref<2x80x128xf32, #tpu.memory_space<vmem>>, vector<1x1x16xf32>,
      %swap3A_72 = arith.constant 0 : i32
      %swap3A_73 = arith.index_cast %swap3A_72 : i32 to index
      %swap3A_74 = arith.index_cast %scan3A_58 : i32 to index
      %swap3A_75 = arith.constant 32 : index
      %swap3A_76 = tpu.vector_load %arg6[%swap3A_73, %swap3A_74, %swap3A_75] {strides = array<i32>} : memref<2x80x128xf32, #tpu.memory_space<vmem>>, vector<1x1x16xf32>,
      %swap3A_77 = vector.shape_cast %swap3A_76 : vector<1x1x16xf32> to vector<16xf32>
      %swap3A_78 = vector.shape_cast %broadcast_in_dim3A_3 : vector<16xf32> to vector<1x1x16xf32>
      tpu.vector_store %arg6[%swap3A_73, %swap3A_74, %swap3A_75], %swap3A_78 {strides = array<i32>} : memref<2x80x128xf32, #tpu.memory_space<vmem>>, vector<1x1x16xf32>,
      %swap3A_79 = arith.constant 0 : i32
      %swap3A_80 = arith.index_cast %swap3A_79 : i32 to index
      %swap3A_81 = arith.index_cast %scan3A_58 : i32 to index
      %swap3A_82 = arith.constant 48 : index
      %swap3A_83 = tpu.vector_load %arg6[%swap3A_80, %swap3A_81, %swap3A_82] {strides = array<i32>} : memref<2x80x128xf32, #tpu.memory_space<vmem>>, vector<1x1x16xf32>,
      %swap3A_84 = vector.shape_cast %swap3A_83 : vector<1x1x16xf32> to vector<16xf32>
      %swap3A_85 = vector.shape_cast %broadcast_in_dim3A_3 : vector<16xf32> to vector<1x1x16xf32>
      tpu.vector_store %arg6[%swap3A_80, %swap3A_81, %swap3A_82], %swap3A_85 {strides = array<i32>} : memref<2x80x128xf32, #tpu.memory_space<vmem>>, vector<1x1x16xf32>,
      %swap3A_86 = arith.constant 0 : i32
      %swap3A_87 = arith.index_cast %swap3A_86 : i32 to index
      %swap3A_88 = arith.index_cast %scan3A_58 : i32 to index
      %swap3A_89 = arith.constant 64 : index
      %swap3A_90 = tpu.vector_load %arg6[%swap3A_87, %swap3A_88, %swap3A_89] {strides = array<i32>} : memref<2x80x128xf32, #tpu.memory_space<vmem>>, vector<1x1x16xf32>,
      %swap3A_91 = vector.shape_cast %swap3A_90 : vector<1x1x16xf32> to vector<16xf32>
      %swap3A_92 = vector.shape_cast %broadcast_in_dim3A_3 : vector<16xf32> to vector<1x1x16xf32>
      tpu.vector_store %arg6[%swap3A_87, %swap3A_88, %swap3A_89], %swap3A_92 {strides = array<i32>} : memref<2x80x128xf32, #tpu.memory_space<vmem>>, vector<1x1x16xf32>,
      %swap3A_93 = arith.constant 0 : i32
      %swap3A_94 = arith.index_cast %swap3A_93 : i32 to index
      %swap3A_95 = arith.index_cast %scan3A_58 : i32 to index
      %swap3A_96 = arith.constant 80 : index
      %swap3A_97 = tpu.vector_load %arg6[%swap3A_94, %swap3A_95, %swap3A_96] {strides = array<i32>} : memref<2x80x128xf32, #tpu.memory_space<vmem>>, vector<1x1x16xf32>,
      %swap3A_98 = vector.shape_cast %swap3A_97 : vector<1x1x16xf32> to vector<16xf32>
      %swap3A_99 = vector.shape_cast %broadcast_in_dim3A_3 : vector<16xf32> to vector<1x1x16xf32>
      tpu.vector_store %arg6[%swap3A_94, %swap3A_95, %swap3A_96], %swap3A_99 {strides = array<i32>} : memref<2x80x128xf32, #tpu.memory_space<vmem>>, vector<1x1x16xf32>,
      %swap3A_100 = arith.constant 0 : i32
      %swap3A_101 = arith.index_cast %swap3A_100 : i32 to index
      %swap3A_102 = arith.index_cast %scan3A_58 : i32 to index
      %swap3A_103 = arith.constant 96 : index
      %swap3A_104 = tpu.vector_load %arg6[%swap3A_101, %swap3A_102, %swap3A_103] {strides = array<i32>} : memref<2x80x128xf32, #tpu.memory_space<vmem>>, vector<1x1x16xf32>,
      %swap3A_105 = vector.shape_cast %swap3A_104 : vector<1x1x16xf32> to vector<16xf32>
      %swap3A_106 = vector.shape_cast %broadcast_in_dim3A_3 : vector<16xf32> to vector<1x1x16xf32>
      tpu.vector_store %arg6[%swap3A_101, %swap3A_102, %swap3A_103], %swap3A_106 {strides = array<i32>} : memref<2x80x128xf32, #tpu.memory_space<vmem>>, vector<1x1x16xf32>,
      %swap3A_107 = arith.constant 0 : i32
      %swap3A_108 = arith.index_cast %swap3A_107 : i32 to index
      %swap3A_109 = arith.index_cast %scan3A_58 : i32 to index
      %swap3A_110 = arith.constant 112 : index
      %swap3A_111 = tpu.vector_load %arg6[%swap3A_108, %swap3A_109, %swap3A_110] {strides = array<i32>} : memref<2x80x128xf32, #tpu.memory_space<vmem>>, vector<1x1x16xf32>,
      %swap3A_112 = vector.shape_cast %swap3A_111 : vector<1x1x16xf32> to vector<16xf32>
      %swap3A_113 = vector.shape_cast %broadcast_in_dim3A_3 : vector<16xf32> to vector<1x1x16xf32>
      tpu.vector_store %arg6[%swap3A_108, %swap3A_109, %swap3A_110], %swap3A_113 {strides = array<i32>} : memref<2x80x128xf32, #tpu.memory_space<vmem>>, vector<1x1x16xf32>,
    }
    %scan3A_8 = arith.constant 80 : i32
    %scan3A_9 = arith.constant 0 : i32
    %scan3A_10 = arith.constant 0 : i32
    %scan3A_11 = arith.constant 8 : i32
    %scan3A_12 = arith.addi %scan3A_10, %scan3A_11 : i32
    %scan3A_13 = arith.constant 1 : i32
    scf.for %scan3A_58 = %scan3A_10 to %scan3A_12 step %scan3A_13  : i32 {
      %mul3A_59 = arith.constant 16 : i32
      %mul3A_60 = arith.muli %scan3A_58, %mul3A_59 : i32
      %add3A_61 = arith.addi %arg1, %mul3A_60 : i32
      %lt3A = arith.constant 125 : i32
      %lt3A_62 = arith.cmpi slt, %add3A_61, %lt3A : i32
      %convert_element_type3A = arith.extui %lt3A_62 : i1 to i32
      %cond3A = arith.constant 0 : i32
      %cond3A_63 = arith.cmpi ne, %convert_element_type3A, %cond3A : i32
      scf.if %cond3A_63 {
        %mul3A_64 = arith.constant 80 : i32
        %mul3A_65 = arith.muli %add3A_61, %mul3A_64 : i32
        %run_scoped3A_66 = arith.constant 0 : i32
        "tpu.region"() ({
          %run_scoped3A_67 = tpu.sem_alloc : memref<!tpu.dma_semaphore, #tpu.memory_space<semaphore_mem>>
          %dma_start3A_68 = arith.constant 0 : i32
          %dma_start3A_69 = arith.constant 0 : i32
          %dma_start3A_70 = tpu.memref_slice %arg6[%run_scoped3A_66, %dma_start3A_68, %dma_start3A_69] : memref<2x80x128xf32, #tpu.memory_space<vmem>> -> memref<1x80x128xf32, #tpu.memory_space<vmem>>
          %dma_start3A_71 = tpu.memref_squeeze %dma_start3A_70 : memref<1x80x128xf32, #tpu.memory_space<vmem>> -> memref<80x128xf32, #tpu.memory_space<vmem>>
          %dma_start3A_72 = arith.constant 0 : i32
          %dma_start3A_73 = tpu.memref_slice %arg7[%mul3A_65, %dma_start3A_72] : memref<10000x128xf32, #tpu.memory_space<vmem_shared>> -> memref<80x128xf32, #tpu.memory_space<vmem_shared>>
          %dma_start3A_74 = arith.constant 0 : i32
          %dma_start3A_75 = tpu.memref_slice %arg7[%mul3A_65, %dma_start3A_74] : memref<10000x128xf32, #tpu.memory_space<vmem_shared>> -> memref<80x128xf32, #tpu.memory_space<vmem_shared>>
          %dma_start3A_76 = arith.constant 0 : i32
          %dma_start3A_77 = arith.constant 0 : i32
          %dma_start3A_78 = tpu.memref_slice %arg6[%run_scoped3A_66, %dma_start3A_76, %dma_start3A_77] : memref<2x80x128xf32, #tpu.memory_space<vmem>> -> memref<1x80x128xf32, #tpu.memory_space<vmem>>
          %dma_start3A_79 = tpu.memref_squeeze %dma_start3A_78 : memref<1x80x128xf32, #tpu.memory_space<vmem>> -> memref<80x128xf32, #tpu.memory_space<vmem>>
          tpu.enqueue_dma source(%dma_start3A_79 : memref<80x128xf32, #tpu.memory_space<vmem>>) target(%dma_start3A_75 : memref<80x128xf32, #tpu.memory_space<vmem_shared>>) target_semaphore(%run_scoped3A_67 : memref<!tpu.dma_semaphore, #tpu.memory_space<semaphore_mem>>)
          %dma_wait3A_80 = arith.constant 0 : i32
          %dma_wait3A_81 = arith.constant 0 : i32
          %dma_wait3A_82 = tpu.memref_slice %arg6[%run_scoped3A_66, %dma_wait3A_80, %dma_wait3A_81] : memref<2x80x128xf32, #tpu.memory_space<vmem>> -> memref<1x80x128xf32, #tpu.memory_space<vmem>>
          %dma_wait3A_83 = tpu.memref_squeeze %dma_wait3A_82 : memref<1x80x128xf32, #tpu.memory_space<vmem>> -> memref<80x128xf32, #tpu.memory_space<vmem>>
          %dma_wait3A_84 = arith.constant 0 : i32
          %dma_wait3A_85 = tpu.memref_slice %arg7[%mul3A_65, %dma_wait3A_84] : memref<10000x128xf32, #tpu.memory_space<vmem_shared>> -> memref<80x128xf32, #tpu.memory_space<vmem_shared>>
          %dma_wait3A_86 = arith.constant 0 : i32
          %dma_wait3A_87 = tpu.memref_slice %arg7[%mul3A_65, %dma_wait3A_86] : memref<10000x128xf32, #tpu.memory_space<vmem_shared>> -> memref<80x128xf32, #tpu.memory_space<vmem_shared>>
          %dma_wait3A_88 = arith.constant 0 : i32
          %dma_wait3A_89 = arith.constant 0 : i32
          %dma_wait3A_90 = tpu.memref_slice %arg6[%run_scoped3A_66, %dma_wait3A_88, %dma_wait3A_89] : memref<2x80x128xf32, #tpu.memory_space<vmem>> -> memref<1x80x128xf32, #tpu.memory_space<vmem>>
          %dma_wait3A_91 = tpu.memref_squeeze %dma_wait3A_90 : memref<1x80x128xf32, #tpu.memory_space<vmem>> -> memref<80x128xf32, #tpu.memory_space<vmem>>
          tpu.wait_dma2 semaphore(%run_scoped3A_67 : memref<!tpu.dma_semaphore, #tpu.memory_space<semaphore_mem>>) src(%dma_wait3A_91 : memref<80x128xf32, #tpu.memory_space<vmem>>) dst(%dma_wait3A_87 : memref<80x128xf32, #tpu.memory_space<vmem_shared>>)
          tpu.yield
        }) : () -> ()
      } else {
      }
    }
    %scan3A_14 = arith.constant 8 : i32
    %barrier3A = arith.constant 0 : index
    tpu.barrier barrier_id(%barrier3A)
    %add3A_15 = arith.constant 0 : i32
    %add3A_16 = arith.addi %mul3A_2, %add3A_15 : i32
    %run_scoped3A = arith.constant 0 : i32
    "tpu.region"() ({
      %run_scoped3A_58 = tpu.sem_alloc : memref<!tpu.dma_semaphore, #tpu.memory_space<semaphore_mem>>
      %dma_start3A_59 = arith.constant 0 : i32
      %dma_start3A_60 = tpu.memref_slice %arg5[%run_scoped3A, %dma_start3A_59] : memref<2x80xi32, #tpu.memory_space<vmem>> -> memref<1x80xi32, #tpu.memory_space<vmem>>
      %dma_start3A_61 = tpu.memref_squeeze %dma_start3A_60 : memref<1x80xi32, #tpu.memory_space<vmem>> -> memref<80xi32, #tpu.memory_space<vmem>>
      %dma_start3A_62 = tpu.memref_slice %arg3[%add3A_16] : memref<320000xi32, #tpu.memory_space<hbm>> -> memref<80xi32, #tpu.memory_space<hbm>>
      %dma_start3A_63 = arith.constant 0 : i32
      %dma_start3A_64 = tpu.memref_slice %arg5[%run_scoped3A, %dma_start3A_63] : memref<2x80xi32, #tpu.memory_space<vmem>> -> memref<1x80xi32, #tpu.memory_space<vmem>>
      %dma_start3A_65 = tpu.memref_squeeze %dma_start3A_64 : memref<1x80xi32, #tpu.memory_space<vmem>> -> memref<80xi32, #tpu.memory_space<vmem>>
      %dma_start3A_66 = tpu.memref_slice %arg3[%add3A_16] : memref<320000xi32, #tpu.memory_space<hbm>> -> memref<80xi32, #tpu.memory_space<hbm>>
      tpu.enqueue_dma source(%dma_start3A_66 : memref<80xi32, #tpu.memory_space<hbm>>) target(%dma_start3A_65 : memref<80xi32, #tpu.memory_space<vmem>>) target_semaphore(%run_scoped3A_58 : memref<!tpu.dma_semaphore, #tpu.memory_space<semaphore_mem>>)
      %dma_wait3A_67 = arith.constant 0 : i32
      %dma_wait3A_68 = tpu.memref_slice %arg5[%run_scoped3A, %dma_wait3A_67] : memref<2x80xi32, #tpu.memory_space<vmem>> -> memref<1x80xi32, #tpu.memory_space<vmem>>
      %dma_wait3A_69 = tpu.memref_squeeze %dma_wait3A_68 : memref<1x80xi32, #tpu.memory_space<vmem>> -> memref<80xi32, #tpu.memory_space<vmem>>
      %dma_wait3A_70 = tpu.memref_slice %arg3[%add3A_16] : memref<320000xi32, #tpu.memory_space<hbm>> -> memref<80xi32, #tpu.memory_space<hbm>>
      %dma_wait3A_71 = arith.constant 0 : i32
      %dma_wait3A_72 = tpu.memref_slice %arg5[%run_scoped3A, %dma_wait3A_71] : memref<2x80xi32, #tpu.memory_space<vmem>> -> memref<1x80xi32, #tpu.memory_space<vmem>>
      %dma_wait3A_73 = tpu.memref_squeeze %dma_wait3A_72 : memref<1x80xi32, #tpu.memory_space<vmem>> -> memref<80xi32, #tpu.memory_space<vmem>>
      %dma_wait3A_74 = tpu.memref_slice %arg3[%add3A_16] : memref<320000xi32, #tpu.memory_space<hbm>> -> memref<80xi32, #tpu.memory_space<hbm>>
      tpu.wait_dma2 semaphore(%run_scoped3A_58 : memref<!tpu.dma_semaphore, #tpu.memory_space<semaphore_mem>>) src(%dma_wait3A_74 : memref<80xi32, #tpu.memory_space<hbm>>) dst(%dma_wait3A_73 : memref<80xi32, #tpu.memory_space<vmem>>)
      tpu.yield
    }) : () -> ()
    %add3A_17 = arith.constant 0 : i32
    %add3A_18 = arith.addi %mul3A_2, %add3A_17 : i32
    %dma_start3A = arith.constant 0 : i32
    %dma_start3A_19 = arith.constant 0 : i32
    %dma_start3A_20 = arith.constant 0 : i32
    %dma_start3A_21 = tpu.memref_slice %arg6[%dma_start3A, %dma_start3A_19, %dma_start3A_20] : memref<2x80x128xf32, #tpu.memory_space<vmem>> -> memref<1x80x128xf32, #tpu.memory_space<vmem>>
    %dma_start3A_22 = tpu.memref_squeeze %dma_start3A_21 : memref<1x80x128xf32, #tpu.memory_space<vmem>> -> memref<80x128xf32, #tpu.memory_space<vmem>>
    %dma_start3A_23 = arith.constant 0 : i32
    %dma_start3A_24 = tpu.memref_slice %arg2[%add3A_18, %dma_start3A_23] : memref<320000x128xf32, #tpu.memory_space<hbm>> -> memref<80x128xf32, #tpu.memory_space<hbm>>
    %dma_start3A_25 = arith.constant 0 : i32
    %dma_start3A_26 = arith.constant 0 : i32
    %dma_start3A_27 = tpu.memref_slice %arg6[%dma_start3A, %dma_start3A_25, %dma_start3A_26] : memref<2x80x128xf32, #tpu.memory_space<vmem>> -> memref<1x80x128xf32, #tpu.memory_space<vmem>>
    %dma_start3A_28 = tpu.memref_squeeze %dma_start3A_27 : memref<1x80x128xf32, #tpu.memory_space<vmem>> -> memref<80x128xf32, #tpu.memory_space<vmem>>
    %dma_start3A_29 = arith.constant 0 : i32
    %dma_start3A_30 = tpu.memref_slice %arg2[%add3A_18, %dma_start3A_29] : memref<320000x128xf32, #tpu.memory_space<hbm>> -> memref<80x128xf32, #tpu.memory_space<hbm>>
    tpu.enqueue_dma source(%dma_start3A_30 : memref<80x128xf32, #tpu.memory_space<hbm>>) target(%dma_start3A_28 : memref<80x128xf32, #tpu.memory_space<vmem>>) target_semaphore(%arg8 : memref<!tpu.dma_semaphore, #tpu.memory_space<semaphore_mem>>)
    %scan3A_31 = arith.constant 0 : i32
    %scan3A_32 = arith.constant 0 : i32
    %scan3A_33 = arith.constant 62 : i32
    %scan3A_34 = arith.addi %scan3A_32, %scan3A_33 : i32
    %scan3A_35 = arith.constant 1 : i32
    scf.for %scan3A_58 = %scan3A_32 to %scan3A_34 step %scan3A_35  : i32 {
      %mul3A_59 = arith.constant 2 : i32
      %mul3A_60 = arith.muli %scan3A_58, %mul3A_59 : i32
      %add3A_61 = arith.constant 1 : i32
      %add3A_62 = arith.addi %mul3A_60, %add3A_61 : i32
      %mul3A_63 = arith.constant 80 : i32
      %mul3A_64 = arith.muli %add3A_62, %mul3A_63 : i32
      %add3A_65 = arith.addi %mul3A_2, %mul3A_64 : i32
      %run_scoped3A_66 = arith.constant 1 : i32
      "tpu.region"() ({
        %run_scoped3A_117 = tpu.sem_alloc : memref<!tpu.dma_semaphore, #tpu.memory_space<semaphore_mem>>
        %dma_start3A_118 = arith.constant 0 : i32
        %dma_start3A_119 = tpu.memref_slice %arg5[%run_scoped3A_66, %dma_start3A_118] : memref<2x80xi32, #tpu.memory_space<vmem>> -> memref<1x80xi32, #tpu.memory_space<vmem>>
        %dma_start3A_120 = tpu.memref_squeeze %dma_start3A_119 : memref<1x80xi32, #tpu.memory_space<vmem>> -> memref<80xi32, #tpu.memory_space<vmem>>
        %dma_start3A_121 = tpu.memref_slice %arg3[%add3A_65] : memref<320000xi32, #tpu.memory_space<hbm>> -> memref<80xi32, #tpu.memory_space<hbm>>
        %dma_start3A_122 = arith.constant 0 : i32
        %dma_start3A_123 = tpu.memref_slice %arg5[%run_scoped3A_66, %dma_start3A_122] : memref<2x80xi32, #tpu.memory_space<vmem>> -> memref<1x80xi32, #tpu.memory_space<vmem>>
        %dma_start3A_124 = tpu.memref_squeeze %dma_start3A_123 : memref<1x80xi32, #tpu.memory_space<vmem>> -> memref<80xi32, #tpu.memory_space<vmem>>
        %dma_start3A_125 = tpu.memref_slice %arg3[%add3A_65] : memref<320000xi32, #tpu.memory_space<hbm>> -> memref<80xi32, #tpu.memory_space<hbm>>
        tpu.enqueue_dma source(%dma_start3A_125 : memref<80xi32, #tpu.memory_space<hbm>>) target(%dma_start3A_124 : memref<80xi32, #tpu.memory_space<vmem>>) target_semaphore(%run_scoped3A_117 : memref<!tpu.dma_semaphore, #tpu.memory_space<semaphore_mem>>)
        %dma_wait3A_126 = arith.constant 0 : i32
        %dma_wait3A_127 = tpu.memref_slice %arg5[%run_scoped3A_66, %dma_wait3A_126] : memref<2x80xi32, #tpu.memory_space<vmem>> -> memref<1x80xi32, #tpu.memory_space<vmem>>
        %dma_wait3A_128 = tpu.memref_squeeze %dma_wait3A_127 : memref<1x80xi32, #tpu.memory_space<vmem>> -> memref<80xi32, #tpu.memory_space<vmem>>
        %dma_wait3A_129 = tpu.memref_slice %arg3[%add3A_65] : memref<320000xi32, #tpu.memory_space<hbm>> -> memref<80xi32, #tpu.memory_space<hbm>>
        %dma_wait3A_130 = arith.constant 0 : i32
        %dma_wait3A_131 = tpu.memref_slice %arg5[%run_scoped3A_66, %dma_wait3A_130] : memref<2x80xi32, #tpu.memory_space<vmem>> -> memref<1x80xi32, #tpu.memory_space<vmem>>
        %dma_wait3A_132 = tpu.memref_squeeze %dma_wait3A_131 : memref<1x80xi32, #tpu.memory_space<vmem>> -> memref<80xi32, #tpu.memory_space<vmem>>
        %dma_wait3A_133 = tpu.memref_slice %arg3[%add3A_65] : memref<320000xi32, #tpu.memory_space<hbm>> -> memref<80xi32, #tpu.memory_space<hbm>>
        tpu.wait_dma2 semaphore(%run_scoped3A_117 : memref<!tpu.dma_semaphore, #tpu.memory_space<semaphore_mem>>) src(%dma_wait3A_133 : memref<80xi32, #tpu.memory_space<hbm>>) dst(%dma_wait3A_132 : memref<80xi32, #tpu.memory_space<vmem>>)
        tpu.yield
      }) : () -> ()
      %mul3A_67 = arith.constant 80 : i32
      %mul3A_68 = arith.muli %add3A_62, %mul3A_67 : i32
      %add3A_69 = arith.addi %mul3A_2, %mul3A_68 : i32
      %dma_start3A_70 = arith.constant 1 : i32
      %dma_start3A_71 = arith.constant 0 : i32
      %dma_start3A_72 = arith.constant 0 : i32
      %dma_start3A_73 = tpu.memref_slice %arg6[%dma_start3A_70, %dma_start3A_71, %dma_start3A_72] : memref<2x80x128xf32, #tpu.memory_space<vmem>> -> memref<1x80x128xf32, #tpu.memory_space<vmem>>
      %dma_start3A_74 = tpu.memref_squeeze %dma_start3A_73 : memref<1x80x128xf32, #tpu.memory_space<vmem>> -> memref<80x128xf32, #tpu.memory_space<vmem>>
      %dma_start3A_75 = arith.constant 0 : i32
      %dma_start3A_76 = tpu.memref_slice %arg2[%add3A_69, %dma_start3A_75] : memref<320000x128xf32, #tpu.memory_space<hbm>> -> memref<80x128xf32, #tpu.memory_space<hbm>>
      %dma_start3A_77 = arith.constant 0 : i32
      %dma_start3A_78 = arith.constant 0 : i32
      %dma_start3A_79 = tpu.memref_slice %arg6[%dma_start3A_70, %dma_start3A_77, %dma_start3A_78] : memref<2x80x128xf32, #tpu.memory_space<vmem>> -> memref<1x80x128xf32, #tpu.memory_space<vmem>>
      %dma_start3A_80 = tpu.memref_squeeze %dma_start3A_79 : memref<1x80x128xf32, #tpu.memory_space<vmem>> -> memref<80x128xf32, #tpu.memory_space<vmem>>
      %dma_start3A_81 = arith.constant 0 : i32
      %dma_start3A_82 = tpu.memref_slice %arg2[%add3A_69, %dma_start3A_81] : memref<320000x128xf32, #tpu.memory_space<hbm>> -> memref<80x128xf32, #tpu.memory_space<hbm>>
      tpu.enqueue_dma source(%dma_start3A_82 : memref<80x128xf32, #tpu.memory_space<hbm>>) target(%dma_start3A_80 : memref<80x128xf32, #tpu.memory_space<vmem>>) target_semaphore(%arg9 : memref<!tpu.dma_semaphore, #tpu.memory_space<semaphore_mem>>)
      %dma_wait3A_83 = arith.constant 0 : i32
      %dma_wait3A_84 = arith.constant 0 : i32
      %dma_wait3A_85 = arith.constant 0 : i32
      %dma_wait3A_86 = tpu.memref_slice %arg6[%dma_wait3A_83, %dma_wait3A_84, %dma_wait3A_85] : memref<2x80x128xf32, #tpu.memory_space<vmem>> -> memref<1x80x128xf32, #tpu.memory_space<vmem>>
      %dma_wait3A_87 = tpu.memref_squeeze %dma_wait3A_86 : memref<1x80x128xf32, #tpu.memory_space<vmem>> -> memref<80x128xf32, #tpu.memory_space<vmem>>
      %dma_wait3A_88 = arith.constant 0 : i32
      %dma_wait3A_89 = tpu.memref_slice %arg2[%mul3A_2, %dma_wait3A_88] : memref<320000x128xf32, #tpu.memory_space<hbm>> -> memref<80x128xf32, #tpu.memory_space<hbm>>
      %dma_wait3A_90 = arith.constant 0 : i32
      %dma_wait3A_91 = arith.constant 0 : i32
      %dma_wait3A_92 = tpu.memref_slice %arg6[%dma_wait3A_83, %dma_wait3A_90, %dma_wait3A_91] : memref<2x80x128xf32, #tpu.memory_space<vmem>> -> memref<1x80x128xf32, #tpu.memory_space<vmem>>
      %dma_wait3A_93 = tpu.memref_squeeze %dma_wait3A_92 : memref<1x80x128xf32, #tpu.memory_space<vmem>> -> memref<80x128xf32, #tpu.memory_space<vmem>>
      %dma_wait3A_94 = arith.constant 0 : i32
      %dma_wait3A_95 = tpu.memref_slice %arg2[%mul3A_2, %dma_wait3A_94] : memref<320000x128xf32, #tpu.memory_space<hbm>> -> memref<80x128xf32, #tpu.memory_space<hbm>>
      tpu.wait_dma2 semaphore(%arg8 : memref<!tpu.dma_semaphore, #tpu.memory_space<semaphore_mem>>) src(%dma_wait3A_95 : memref<80x128xf32, #tpu.memory_space<hbm>>) dst(%dma_wait3A_93 : memref<80x128xf32, #tpu.memory_space<vmem>>)
      %run_scoped3A_96 = arith.constant 0 : i32
      %run_scoped3A_97 = arith.constant 0 : i32
      "tpu.region"() ({
        %run_scoped3A_117 = tpu.sem_alloc : memref<!tpu.dma_semaphore, #tpu.memory_space<semaphore_mem>>
        %dma_start3A_118 = arith.constant 0 : i32
        %dma_start3A_119 = arith.constant 0 : i32
        %dma_start3A_120 = tpu.memref_slice %arg6[%run_scoped3A_96, %dma_start3A_118, %dma_start3A_119] : memref<2x80x128xf32, #tpu.memory_space<vmem>> -> memref<1x80x128xf32, #tpu.memory_space<vmem>>
        %dma_start3A_121 = tpu.memref_squeeze %dma_start3A_120 : memref<1x80x128xf32, #tpu.memory_space<vmem>> -> memref<80x128xf32, #tpu.memory_space<vmem>>
        %dma_start3A_122 = arith.constant 0 : i32
        %dma_start3A_123 = tpu.memref_slice %arg5[%run_scoped3A_97, %dma_start3A_122] : memref<2x80xi32, #tpu.memory_space<vmem>> -> memref<1x80xi32, #tpu.memory_space<vmem>>
        %dma_start3A_124 = tpu.memref_squeeze %dma_start3A_123 : memref<1x80xi32, #tpu.memory_space<vmem>> -> memref<80xi32, #tpu.memory_space<vmem>>
        %dma_start3A_125 = arith.constant 0 : i32
        %dma_start3A_126 = arith.constant 0 : i32
        %dma_start3A_127 = tpu.memref_slice %arg7[%dma_start3A_125, %dma_start3A_126] : memref<10000x128xf32, #tpu.memory_space<vmem_shared>> -> memref<10000x128xf32, #tpu.memory_space<vmem_shared>>
        tpu.enqueue_indirect_dma source(%dma_start3A_121 : memref<80x128xf32, #tpu.memory_space<vmem>>) target(%dma_start3A_127 : memref<10000x128xf32, #tpu.memory_space<vmem_shared>>) offsets(%dma_start3A_124 : memref<80xi32, #tpu.memory_space<vmem>>) semaphore(%run_scoped3A_117 : memref<!tpu.dma_semaphore, #tpu.memory_space<semaphore_mem>>) {add = true}
        %dma_wait3A_128 = arith.constant 0 : i32
        %dma_wait3A_129 = arith.constant 0 : i32
        %dma_wait3A_130 = tpu.memref_slice %arg6[%run_scoped3A_96, %dma_wait3A_128, %dma_wait3A_129] : memref<2x80x128xf32, #tpu.memory_space<vmem>> -> memref<1x80x128xf32, #tpu.memory_space<vmem>>
        %dma_wait3A_131 = tpu.memref_squeeze %dma_wait3A_130 : memref<1x80x128xf32, #tpu.memory_space<vmem>> -> memref<80x128xf32, #tpu.memory_space<vmem>>
        %dma_wait3A_132 = arith.constant 0 : i32
        %dma_wait3A_133 = tpu.memref_slice %arg5[%run_scoped3A_97, %dma_wait3A_132] : memref<2x80xi32, #tpu.memory_space<vmem>> -> memref<1x80xi32, #tpu.memory_space<vmem>>
        %dma_wait3A_134 = tpu.memref_squeeze %dma_wait3A_133 : memref<1x80xi32, #tpu.memory_space<vmem>> -> memref<80xi32, #tpu.memory_space<vmem>>
        %dma_wait3A_135 = arith.constant 0 : i32
        %dma_wait3A_136 = arith.constant 0 : i32
        %dma_wait3A_137 = tpu.memref_slice %arg7[%dma_wait3A_135, %dma_wait3A_136] : memref<10000x128xf32, #tpu.memory_space<vmem_shared>> -> memref<10000x128xf32, #tpu.memory_space<vmem_shared>>
        tpu.wait_indirect_dma semaphore(%run_scoped3A_117 : memref<!tpu.dma_semaphore, #tpu.memory_space<semaphore_mem>>) src(%dma_wait3A_131 : memref<80x128xf32, #tpu.memory_space<vmem>>) dst(%dma_wait3A_137 : memref<10000x128xf32, #tpu.memory_space<vmem_shared>>)
        tpu.yield
      }) : () -> ()
      %add3A_98 = arith.constant 2 : i32
      %add3A_99 = arith.addi %mul3A_60, %add3A_98 : i32
      %lt3A = arith.constant 125 : i32
      %lt3A_100 = arith.cmpi slt, %add3A_99, %lt3A : i32
      %convert_element_type3A = arith.extui %lt3A_100 : i1 to i32
      %cond3A = arith.constant 0 : i32
      %cond3A_101 = arith.cmpi ne, %convert_element_type3A, %cond3A : i32
      scf.if %cond3A_101 {
        %add3A_117 = arith.constant 2 : i32
        %add3A_118 = arith.addi %mul3A_60, %add3A_117 : i32
        %mul3A_119 = arith.constant 80 : i32
        %mul3A_120 = arith.muli %add3A_118, %mul3A_119 : i32
        %add3A_121 = arith.addi %mul3A_2, %mul3A_120 : i32
        %run_scoped3A_122 = arith.constant 0 : i32
        "tpu.region"() ({
          %run_scoped3A_139 = tpu.sem_alloc : memref<!tpu.dma_semaphore, #tpu.memory_space<semaphore_mem>>
          %dma_start3A_140 = arith.constant 0 : i32
          %dma_start3A_141 = tpu.memref_slice %arg5[%run_scoped3A_122, %dma_start3A_140] : memref<2x80xi32, #tpu.memory_space<vmem>> -> memref<1x80xi32, #tpu.memory_space<vmem>>
          %dma_start3A_142 = tpu.memref_squeeze %dma_start3A_141 : memref<1x80xi32, #tpu.memory_space<vmem>> -> memref<80xi32, #tpu.memory_space<vmem>>
          %dma_start3A_143 = tpu.memref_slice %arg3[%add3A_121] : memref<320000xi32, #tpu.memory_space<hbm>> -> memref<80xi32, #tpu.memory_space<hbm>>
          %dma_start3A_144 = arith.constant 0 : i32
          %dma_start3A_145 = tpu.memref_slice %arg5[%run_scoped3A_122, %dma_start3A_144] : memref<2x80xi32, #tpu.memory_space<vmem>> -> memref<1x80xi32, #tpu.memory_space<vmem>>
          %dma_start3A_146 = tpu.memref_squeeze %dma_start3A_145 : memref<1x80xi32, #tpu.memory_space<vmem>> -> memref<80xi32, #tpu.memory_space<vmem>>
          %dma_start3A_147 = tpu.memref_slice %arg3[%add3A_121] : memref<320000xi32, #tpu.memory_space<hbm>> -> memref<80xi32, #tpu.memory_space<hbm>>
          tpu.enqueue_dma source(%dma_start3A_147 : memref<80xi32, #tpu.memory_space<hbm>>) target(%dma_start3A_146 : memref<80xi32, #tpu.memory_space<vmem>>) target_semaphore(%run_scoped3A_139 : memref<!tpu.dma_semaphore, #tpu.memory_space<semaphore_mem>>)
          %dma_wait3A_148 = arith.constant 0 : i32
          %dma_wait3A_149 = tpu.memref_slice %arg5[%run_scoped3A_122, %dma_wait3A_148] : memref<2x80xi32, #tpu.memory_space<vmem>> -> memref<1x80xi32, #tpu.memory_space<vmem>>
          %dma_wait3A_150 = tpu.memref_squeeze %dma_wait3A_149 : memref<1x80xi32, #tpu.memory_space<vmem>> -> memref<80xi32, #tpu.memory_space<vmem>>
          %dma_wait3A_151 = tpu.memref_slice %arg3[%add3A_121] : memref<320000xi32, #tpu.memory_space<hbm>> -> memref<80xi32, #tpu.memory_space<hbm>>
          %dma_wait3A_152 = arith.constant 0 : i32
          %dma_wait3A_153 = tpu.memref_slice %arg5[%run_scoped3A_122, %dma_wait3A_152] : memref<2x80xi32, #tpu.memory_space<vmem>> -> memref<1x80xi32, #tpu.memory_space<vmem>>
          %dma_wait3A_154 = tpu.memref_squeeze %dma_wait3A_153 : memref<1x80xi32, #tpu.memory_space<vmem>> -> memref<80xi32, #tpu.memory_space<vmem>>
          %dma_wait3A_155 = tpu.memref_slice %arg3[%add3A_121] : memref<320000xi32, #tpu.memory_space<hbm>> -> memref<80xi32, #tpu.memory_space<hbm>>
          tpu.wait_dma2 semaphore(%run_scoped3A_139 : memref<!tpu.dma_semaphore, #tpu.memory_space<semaphore_mem>>) src(%dma_wait3A_155 : memref<80xi32, #tpu.memory_space<hbm>>) dst(%dma_wait3A_154 : memref<80xi32, #tpu.memory_space<vmem>>)
          tpu.yield
        }) : () -> ()
        %mul3A_123 = arith.constant 80 : i32
        %mul3A_124 = arith.muli %add3A_118, %mul3A_123 : i32
        %add3A_125 = arith.addi %mul3A_2, %mul3A_124 : i32
        %dma_start3A_126 = arith.constant 0 : i32
        %dma_start3A_127 = arith.constant 0 : i32
        %dma_start3A_128 = arith.constant 0 : i32
        %dma_start3A_129 = tpu.memref_slice %arg6[%dma_start3A_126, %dma_start3A_127, %dma_start3A_128] : memref<2x80x128xf32, #tpu.memory_space<vmem>> -> memref<1x80x128xf32, #tpu.memory_space<vmem>>
        %dma_start3A_130 = tpu.memref_squeeze %dma_start3A_129 : memref<1x80x128xf32, #tpu.memory_space<vmem>> -> memref<80x128xf32, #tpu.memory_space<vmem>>
        %dma_start3A_131 = arith.constant 0 : i32
        %dma_start3A_132 = tpu.memref_slice %arg2[%add3A_125, %dma_start3A_131] : memref<320000x128xf32, #tpu.memory_space<hbm>> -> memref<80x128xf32, #tpu.memory_space<hbm>>
        %dma_start3A_133 = arith.constant 0 : i32
        %dma_start3A_134 = arith.constant 0 : i32
        %dma_start3A_135 = tpu.memref_slice %arg6[%dma_start3A_126, %dma_start3A_133, %dma_start3A_134] : memref<2x80x128xf32, #tpu.memory_space<vmem>> -> memref<1x80x128xf32, #tpu.memory_space<vmem>>
        %dma_start3A_136 = tpu.memref_squeeze %dma_start3A_135 : memref<1x80x128xf32, #tpu.memory_space<vmem>> -> memref<80x128xf32, #tpu.memory_space<vmem>>
        %dma_start3A_137 = arith.constant 0 : i32
        %dma_start3A_138 = tpu.memref_slice %arg2[%add3A_125, %dma_start3A_137] : memref<320000x128xf32, #tpu.memory_space<hbm>> -> memref<80x128xf32, #tpu.memory_space<hbm>>
        tpu.enqueue_dma source(%dma_start3A_138 : memref<80x128xf32, #tpu.memory_space<hbm>>) target(%dma_start3A_136 : memref<80x128xf32, #tpu.memory_space<vmem>>) target_semaphore(%arg8 : memref<!tpu.dma_semaphore, #tpu.memory_space<semaphore_mem>>)
      } else {
      }
      %dma_wait3A_102 = arith.constant 1 : i32
      %dma_wait3A_103 = arith.constant 0 : i32
      %dma_wait3A_104 = arith.constant 0 : i32
      %dma_wait3A_105 = tpu.memref_slice %arg6[%dma_wait3A_102, %dma_wait3A_103, %dma_wait3A_104] : memref<2x80x128xf32, #tpu.memory_space<vmem>> -> memref<1x80x128xf32, #tpu.memory_space<vmem>>
      %dma_wait3A_106 = tpu.memref_squeeze %dma_wait3A_105 : memref<1x80x128xf32, #tpu.memory_space<vmem>> -> memref<80x128xf32, #tpu.memory_space<vmem>>
      %dma_wait3A_107 = arith.constant 0 : i32
      %dma_wait3A_108 = tpu.memref_slice %arg2[%mul3A_2, %dma_wait3A_107] : memref<320000x128xf32, #tpu.memory_space<hbm>> -> memref<80x128xf32, #tpu.memory_space<hbm>>
      %dma_wait3A_109 = arith.constant 0 : i32
      %dma_wait3A_110 = arith.constant 0 : i32
      %dma_wait3A_111 = tpu.memref_slice %arg6[%dma_wait3A_102, %dma_wait3A_109, %dma_wait3A_110] : memref<2x80x128xf32, #tpu.memory_space<vmem>> -> memref<1x80x128xf32, #tpu.memory_space<vmem>>
      %dma_wait3A_112 = tpu.memref_squeeze %dma_wait3A_111 : memref<1x80x128xf32, #tpu.memory_space<vmem>> -> memref<80x128xf32, #tpu.memory_space<vmem>>
      %dma_wait3A_113 = arith.constant 0 : i32
      %dma_wait3A_114 = tpu.memref_slice %arg2[%mul3A_2, %dma_wait3A_113] : memref<320000x128xf32, #tpu.memory_space<hbm>> -> memref<80x128xf32, #tpu.memory_space<hbm>>
      tpu.wait_dma2 semaphore(%arg9 : memref<!tpu.dma_semaphore, #tpu.memory_space<semaphore_mem>>) src(%dma_wait3A_114 : memref<80x128xf32, #tpu.memory_space<hbm>>) dst(%dma_wait3A_112 : memref<80x128xf32, #tpu.memory_space<vmem>>)
      %run_scoped3A_115 = arith.constant 1 : i32
      %run_scoped3A_116 = arith.constant 1 : i32
      "tpu.region"() ({
        %run_scoped3A_117 = tpu.sem_alloc : memref<!tpu.dma_semaphore, #tpu.memory_space<semaphore_mem>>
        %dma_start3A_118 = arith.constant 0 : i32
        %dma_start3A_119 = arith.constant 0 : i32
        %dma_start3A_120 = tpu.memref_slice %arg6[%run_scoped3A_115, %dma_start3A_118, %dma_start3A_119] : memref<2x80x128xf32, #tpu.memory_space<vmem>> -> memref<1x80x128xf32, #tpu.memory_space<vmem>>
        %dma_start3A_121 = tpu.memref_squeeze %dma_start3A_120 : memref<1x80x128xf32, #tpu.memory_space<vmem>> -> memref<80x128xf32, #tpu.memory_space<vmem>>
        %dma_start3A_122 = arith.constant 0 : i32
        %dma_start3A_123 = tpu.memref_slice %arg5[%run_scoped3A_116, %dma_start3A_122] : memref<2x80xi32, #tpu.memory_space<vmem>> -> memref<1x80xi32, #tpu.memory_space<vmem>>
        %dma_start3A_124 = tpu.memref_squeeze %dma_start3A_123 : memref<1x80xi32, #tpu.memory_space<vmem>> -> memref<80xi32, #tpu.memory_space<vmem>>
        %dma_start3A_125 = arith.constant 0 : i32
        %dma_start3A_126 = arith.constant 0 : i32
        %dma_start3A_127 = tpu.memref_slice %arg7[%dma_start3A_125, %dma_start3A_126] : memref<10000x128xf32, #tpu.memory_space<vmem_shared>> -> memref<10000x128xf32, #tpu.memory_space<vmem_shared>>
        tpu.enqueue_indirect_dma source(%dma_start3A_121 : memref<80x128xf32, #tpu.memory_space<vmem>>) target(%dma_start3A_127 : memref<10000x128xf32, #tpu.memory_space<vmem_shared>>) offsets(%dma_start3A_124 : memref<80xi32, #tpu.memory_space<vmem>>) semaphore(%run_scoped3A_117 : memref<!tpu.dma_semaphore, #tpu.memory_space<semaphore_mem>>) {add = true}
        %dma_wait3A_128 = arith.constant 0 : i32
        %dma_wait3A_129 = arith.constant 0 : i32
        %dma_wait3A_130 = tpu.memref_slice %arg6[%run_scoped3A_115, %dma_wait3A_128, %dma_wait3A_129] : memref<2x80x128xf32, #tpu.memory_space<vmem>> -> memref<1x80x128xf32, #tpu.memory_space<vmem>>
        %dma_wait3A_131 = tpu.memref_squeeze %dma_wait3A_130 : memref<1x80x128xf32, #tpu.memory_space<vmem>> -> memref<80x128xf32, #tpu.memory_space<vmem>>
        %dma_wait3A_132 = arith.constant 0 : i32
        %dma_wait3A_133 = tpu.memref_slice %arg5[%run_scoped3A_116, %dma_wait3A_132] : memref<2x80xi32, #tpu.memory_space<vmem>> -> memref<1x80xi32, #tpu.memory_space<vmem>>
        %dma_wait3A_134 = tpu.memref_squeeze %dma_wait3A_133 : memref<1x80xi32, #tpu.memory_space<vmem>> -> memref<80xi32, #tpu.memory_space<vmem>>
        %dma_wait3A_135 = arith.constant 0 : i32
        %dma_wait3A_136 = arith.constant 0 : i32
        %dma_wait3A_137 = tpu.memref_slice %arg7[%dma_wait3A_135, %dma_wait3A_136] : memref<10000x128xf32, #tpu.memory_space<vmem_shared>> -> memref<10000x128xf32, #tpu.memory_space<vmem_shared>>
        tpu.wait_indirect_dma semaphore(%run_scoped3A_117 : memref<!tpu.dma_semaphore, #tpu.memory_space<semaphore_mem>>) src(%dma_wait3A_131 : memref<80x128xf32, #tpu.memory_space<vmem>>) dst(%dma_wait3A_137 : memref<10000x128xf32, #tpu.memory_space<vmem_shared>>)
        tpu.yield
      }) : () -> ()
    }
    %scan3A_36 = arith.constant 62 : i32
    %dma_wait3A = arith.constant 0 : i32
    %dma_wait3A_37 = arith.constant 0 : i32
    %dma_wait3A_38 = arith.constant 0 : i32
    %dma_wait3A_39 = tpu.memref_slice %arg6[%dma_wait3A, %dma_wait3A_37, %dma_wait3A_38] : memref<2x80x128xf32, #tpu.memory_space<vmem>> -> memref<1x80x128xf32, #tpu.memory_space<vmem>>
    %dma_wait3A_40 = tpu.memref_squeeze %dma_wait3A_39 : memref<1x80x128xf32, #tpu.memory_space<vmem>> -> memref<80x128xf32, #tpu.memory_space<vmem>>
    %dma_wait3A_41 = arith.constant 0 : i32
    %dma_wait3A_42 = tpu.memref_slice %arg2[%mul3A_2, %dma_wait3A_41] : memref<320000x128xf32, #tpu.memory_space<hbm>> -> memref<80x128xf32, #tpu.memory_space<hbm>>
    %dma_wait3A_43 = arith.constant 0 : i32
    %dma_wait3A_44 = arith.constant 0 : i32
    %dma_wait3A_45 = tpu.memref_slice %arg6[%dma_wait3A, %dma_wait3A_43, %dma_wait3A_44] : memref<2x80x128xf32, #tpu.memory_space<vmem>> -> memref<1x80x128xf32, #tpu.memory_space<vmem>>
    %dma_wait3A_46 = tpu.memref_squeeze %dma_wait3A_45 : memref<1x80x128xf32, #tpu.memory_space<vmem>> -> memref<80x128xf32, #tpu.memory_space<vmem>>
    %dma_wait3A_47 = arith.constant 0 : i32
    %dma_wait3A_48 = tpu.memref_slice %arg2[%mul3A_2, %dma_wait3A_47] : memref<320000x128xf32, #tpu.memory_space<hbm>> -> memref<80x128xf32, #tpu.memory_space<hbm>>
    tpu.wait_dma2 semaphore(%arg8 : memref<!tpu.dma_semaphore, #tpu.memory_space<semaphore_mem>>) src(%dma_wait3A_48 : memref<80x128xf32, #tpu.memory_space<hbm>>) dst(%dma_wait3A_46 : memref<80x128xf32, #tpu.memory_space<vmem>>)
    %run_scoped3A_49 = arith.constant 0 : i32
    %run_scoped3A_50 = arith.constant 0 : i32
    "tpu.region"() ({
      %run_scoped3A_58 = tpu.sem_alloc : memref<!tpu.dma_semaphore, #tpu.memory_space<semaphore_mem>>
      %dma_start3A_59 = arith.constant 0 : i32
      %dma_start3A_60 = arith.constant 0 : i32
      %dma_start3A_61 = tpu.memref_slice %arg6[%run_scoped3A_49, %dma_start3A_59, %dma_start3A_60] : memref<2x80x128xf32, #tpu.memory_space<vmem>> -> memref<1x80x128xf32, #tpu.memory_space<vmem>>
      %dma_start3A_62 = tpu.memref_squeeze %dma_start3A_61 : memref<1x80x128xf32, #tpu.memory_space<vmem>> -> memref<80x128xf32, #tpu.memory_space<vmem>>
      %dma_start3A_63 = arith.constant 0 : i32
      %dma_start3A_64 = tpu.memref_slice %arg5[%run_scoped3A_50, %dma_start3A_63] : memref<2x80xi32, #tpu.memory_space<vmem>> -> memref<1x80xi32, #tpu.memory_space<vmem>>
      %dma_start3A_65 = tpu.memref_squeeze %dma_start3A_64 : memref<1x80xi32, #tpu.memory_space<vmem>> -> memref<80xi32, #tpu.memory_space<vmem>>
      %dma_start3A_66 = arith.constant 0 : i32
      %dma_start3A_67 = arith.constant 0 : i32
      %dma_start3A_68 = tpu.memref_slice %arg7[%dma_start3A_66, %dma_start3A_67] : memref<10000x128xf32, #tpu.memory_space<vmem_shared>> -> memref<10000x128xf32, #tpu.memory_space<vmem_shared>>
      tpu.enqueue_indirect_dma source(%dma_start3A_62 : memref<80x128xf32, #tpu.memory_space<vmem>>) target(%dma_start3A_68 : memref<10000x128xf32, #tpu.memory_space<vmem_shared>>) offsets(%dma_start3A_65 : memref<80xi32, #tpu.memory_space<vmem>>) semaphore(%run_scoped3A_58 : memref<!tpu.dma_semaphore, #tpu.memory_space<semaphore_mem>>) {add = true}
      %dma_wait3A_69 = arith.constant 0 : i32
      %dma_wait3A_70 = arith.constant 0 : i32
      %dma_wait3A_71 = tpu.memref_slice %arg6[%run_scoped3A_49, %dma_wait3A_69, %dma_wait3A_70] : memref<2x80x128xf32, #tpu.memory_space<vmem>> -> memref<1x80x128xf32, #tpu.memory_space<vmem>>
      %dma_wait3A_72 = tpu.memref_squeeze %dma_wait3A_71 : memref<1x80x128xf32, #tpu.memory_space<vmem>> -> memref<80x128xf32, #tpu.memory_space<vmem>>
      %dma_wait3A_73 = arith.constant 0 : i32
      %dma_wait3A_74 = tpu.memref_slice %arg5[%run_scoped3A_50, %dma_wait3A_73] : memref<2x80xi32, #tpu.memory_space<vmem>> -> memref<1x80xi32, #tpu.memory_space<vmem>>
      %dma_wait3A_75 = tpu.memref_squeeze %dma_wait3A_74 : memref<1x80xi32, #tpu.memory_space<vmem>> -> memref<80xi32, #tpu.memory_space<vmem>>
      %dma_wait3A_76 = arith.constant 0 : i32
      %dma_wait3A_77 = arith.constant 0 : i32
      %dma_wait3A_78 = tpu.memref_slice %arg7[%dma_wait3A_76, %dma_wait3A_77] : memref<10000x128xf32, #tpu.memory_space<vmem_shared>> -> memref<10000x128xf32, #tpu.memory_space<vmem_shared>>
      tpu.wait_indirect_dma semaphore(%run_scoped3A_58 : memref<!tpu.dma_semaphore, #tpu.memory_space<semaphore_mem>>) src(%dma_wait3A_72 : memref<80x128xf32, #tpu.memory_space<vmem>>) dst(%dma_wait3A_78 : memref<10000x128xf32, #tpu.memory_space<vmem_shared>>)
      tpu.yield
    }) : () -> ()
    %barrier3A_51 = arith.constant 0 : index
    tpu.barrier barrier_id(%barrier3A_51)
    %scan3A_52 = arith.constant 0 : i32
    %scan3A_53 = arith.constant 0 : i32
    %scan3A_54 = arith.constant 8 : i32
    %scan3A_55 = arith.addi %scan3A_53, %scan3A_54 : i32
    %scan3A_56 = arith.constant 1 : i32
    scf.for %scan3A_58 = %scan3A_53 to %scan3A_55 step %scan3A_56  : i32 {
      %mul3A_59 = arith.constant 16 : i32
      %mul3A_60 = arith.muli %scan3A_58, %mul3A_59 : i32
      %add3A_61 = arith.addi %arg1, %mul3A_60 : i32
      %lt3A = arith.constant 125 : i32
      %lt3A_62 = arith.cmpi slt, %add3A_61, %lt3A : i32
      %convert_element_type3A = arith.extui %lt3A_62 : i1 to i32
      %cond3A = arith.constant 0 : i32
      %cond3A_63 = arith.cmpi ne, %convert_element_type3A, %cond3A : i32
      scf.if %cond3A_63 {
        %mul3A_64 = arith.constant 80 : i32
        %mul3A_65 = arith.muli %add3A_61, %mul3A_64 : i32
        %run_scoped3A_66 = arith.constant 0 : i32
        "tpu.region"() ({
          %run_scoped3A_70 = tpu.sem_alloc : memref<!tpu.dma_semaphore, #tpu.memory_space<semaphore_mem>>
          %dma_start3A_71 = arith.constant 0 : i32
          %dma_start3A_72 = arith.constant 0 : i32
          %dma_start3A_73 = tpu.memref_slice %arg6[%run_scoped3A_66, %dma_start3A_71, %dma_start3A_72] : memref<2x80x128xf32, #tpu.memory_space<vmem>> -> memref<1x80x128xf32, #tpu.memory_space<vmem>>
          %dma_start3A_74 = tpu.memref_squeeze %dma_start3A_73 : memref<1x80x128xf32, #tpu.memory_space<vmem>> -> memref<80x128xf32, #tpu.memory_space<vmem>>
          %dma_start3A_75 = arith.constant 0 : i32
          %dma_start3A_76 = tpu.memref_slice %arg7[%mul3A_65, %dma_start3A_75] : memref<10000x128xf32, #tpu.memory_space<vmem_shared>> -> memref<80x128xf32, #tpu.memory_space<vmem_shared>>
          %dma_start3A_77 = arith.constant 0 : i32
          %dma_start3A_78 = arith.constant 0 : i32
          %dma_start3A_79 = tpu.memref_slice %arg6[%run_scoped3A_66, %dma_start3A_77, %dma_start3A_78] : memref<2x80x128xf32, #tpu.memory_space<vmem>> -> memref<1x80x128xf32, #tpu.memory_space<vmem>>
          %dma_start3A_80 = tpu.memref_squeeze %dma_start3A_79 : memref<1x80x128xf32, #tpu.memory_space<vmem>> -> memref<80x128xf32, #tpu.memory_space<vmem>>
          %dma_start3A_81 = arith.constant 0 : i32
          %dma_start3A_82 = tpu.memref_slice %arg7[%mul3A_65, %dma_start3A_81] : memref<10000x128xf32, #tpu.memory_space<vmem_shared>> -> memref<80x128xf32, #tpu.memory_space<vmem_shared>>
          tpu.enqueue_dma source(%dma_start3A_82 : memref<80x128xf32, #tpu.memory_space<vmem_shared>>) target(%dma_start3A_80 : memref<80x128xf32, #tpu.memory_space<vmem>>) target_semaphore(%run_scoped3A_70 : memref<!tpu.dma_semaphore, #tpu.memory_space<semaphore_mem>>)
          %dma_wait3A_83 = arith.constant 0 : i32
          %dma_wait3A_84 = arith.constant 0 : i32
          %dma_wait3A_85 = tpu.memref_slice %arg6[%run_scoped3A_66, %dma_wait3A_83, %dma_wait3A_84] : memref<2x80x128xf32, #tpu.memory_space<vmem>> -> memref<1x80x128xf32, #tpu.memory_space<vmem>>
          %dma_wait3A_86 = tpu.memref_squeeze %dma_wait3A_85 : memref<1x80x128xf32, #tpu.memory_space<vmem>> -> memref<80x128xf32, #tpu.memory_space<vmem>>
          %dma_wait3A_87 = arith.constant 0 : i32
          %dma_wait3A_88 = tpu.memref_slice %arg7[%mul3A_65, %dma_wait3A_87] : memref<10000x128xf32, #tpu.memory_space<vmem_shared>> -> memref<80x128xf32, #tpu.memory_space<vmem_shared>>
          %dma_wait3A_89 = arith.constant 0 : i32
          %dma_wait3A_90 = arith.constant 0 : i32
          %dma_wait3A_91 = tpu.memref_slice %arg6[%run_scoped3A_66, %dma_wait3A_89, %dma_wait3A_90] : memref<2x80x128xf32, #tpu.memory_space<vmem>> -> memref<1x80x128xf32, #tpu.memory_space<vmem>>
          %dma_wait3A_92 = tpu.memref_squeeze %dma_wait3A_91 : memref<1x80x128xf32, #tpu.memory_space<vmem>> -> memref<80x128xf32, #tpu.memory_space<vmem>>
          %dma_wait3A_93 = arith.constant 0 : i32
          %dma_wait3A_94 = tpu.memref_slice %arg7[%mul3A_65, %dma_wait3A_93] : memref<10000x128xf32, #tpu.memory_space<vmem_shared>> -> memref<80x128xf32, #tpu.memory_space<vmem_shared>>
          tpu.wait_dma2 semaphore(%run_scoped3A_70 : memref<!tpu.dma_semaphore, #tpu.memory_space<semaphore_mem>>) src(%dma_wait3A_94 : memref<80x128xf32, #tpu.memory_space<vmem_shared>>) dst(%dma_wait3A_92 : memref<80x128xf32, #tpu.memory_space<vmem>>)
          tpu.yield
        }) : () -> ()
        %mul3A_67 = arith.constant 80 : i32
        %mul3A_68 = arith.muli %add3A_61, %mul3A_67 : i32
        %run_scoped3A_69 = arith.constant 0 : i32
        "tpu.region"() ({
          %run_scoped3A_70 = tpu.sem_alloc : memref<!tpu.dma_semaphore, #tpu.memory_space<semaphore_mem>>
          %dma_start3A_71 = arith.constant 0 : i32
          %dma_start3A_72 = arith.constant 0 : i32
          %dma_start3A_73 = tpu.memref_slice %arg6[%run_scoped3A_69, %dma_start3A_71, %dma_start3A_72] : memref<2x80x128xf32, #tpu.memory_space<vmem>> -> memref<1x80x128xf32, #tpu.memory_space<vmem>>
          %dma_start3A_74 = tpu.memref_squeeze %dma_start3A_73 : memref<1x80x128xf32, #tpu.memory_space<vmem>> -> memref<80x128xf32, #tpu.memory_space<vmem>>
          %dma_start3A_75 = arith.constant 0 : i32
          %dma_start3A_76 = tpu.memref_slice %arg4[%arg0, %mul3A_68, %dma_start3A_75] : memref<2x10000x128xf32, #tpu.memory_space<hbm>> -> memref<1x80x128xf32, #tpu.memory_space<hbm>>
          %dma_start3A_77 = tpu.memref_squeeze %dma_start3A_76 : memref<1x80x128xf32, #tpu.memory_space<hbm>> -> memref<80x128xf32, #tpu.memory_space<hbm>>
          %dma_start3A_78 = arith.constant 0 : i32
          %dma_start3A_79 = tpu.memref_slice %arg4[%arg0, %mul3A_68, %dma_start3A_78] : memref<2x10000x128xf32, #tpu.memory_space<hbm>> -> memref<1x80x128xf32, #tpu.memory_space<hbm>>
          %dma_start3A_80 = tpu.memref_squeeze %dma_start3A_79 : memref<1x80x128xf32, #tpu.memory_space<hbm>> -> memref<80x128xf32, #tpu.memory_space<hbm>>
          %dma_start3A_81 = arith.constant 0 : i32
          %dma_start3A_82 = arith.constant 0 : i32
          %dma_start3A_83 = tpu.memref_slice %arg6[%run_scoped3A_69, %dma_start3A_81, %dma_start3A_82] : memref<2x80x128xf32, #tpu.memory_space<vmem>> -> memref<1x80x128xf32, #tpu.memory_space<vmem>>
          %dma_start3A_84 = tpu.memref_squeeze %dma_start3A_83 : memref<1x80x128xf32, #tpu.memory_space<vmem>> -> memref<80x128xf32, #tpu.memory_space<vmem>>
          tpu.enqueue_dma source(%dma_start3A_84 : memref<80x128xf32, #tpu.memory_space<vmem>>) target(%dma_start3A_80 : memref<80x128xf32, #tpu.memory_space<hbm>>) target_semaphore(%run_scoped3A_70 : memref<!tpu.dma_semaphore, #tpu.memory_space<semaphore_mem>>)
          %dma_wait3A_85 = arith.constant 0 : i32
          %dma_wait3A_86 = arith.constant 0 : i32
          %dma_wait3A_87 = tpu.memref_slice %arg6[%run_scoped3A_69, %dma_wait3A_85, %dma_wait3A_86] : memref<2x80x128xf32, #tpu.memory_space<vmem>> -> memref<1x80x128xf32, #tpu.memory_space<vmem>>
          %dma_wait3A_88 = tpu.memref_squeeze %dma_wait3A_87 : memref<1x80x128xf32, #tpu.memory_space<vmem>> -> memref<80x128xf32, #tpu.memory_space<vmem>>
          %dma_wait3A_89 = arith.constant 0 : i32
          %dma_wait3A_90 = tpu.memref_slice %arg4[%arg0, %mul3A_68, %dma_wait3A_89] : memref<2x10000x128xf32, #tpu.memory_space<hbm>> -> memref<1x80x128xf32, #tpu.memory_space<hbm>>
          %dma_wait3A_91 = tpu.memref_squeeze %dma_wait3A_90 : memref<1x80x128xf32, #tpu.memory_space<hbm>> -> memref<80x128xf32, #tpu.memory_space<hbm>>
          %dma_wait3A_92 = arith.constant 0 : i32
          %dma_wait3A_93 = tpu.memref_slice %arg4[%arg0, %mul3A_68, %dma_wait3A_92] : memref<2x10000x128xf32, #tpu.memory_space<hbm>> -> memref<1x80x128xf32, #tpu.memory_space<hbm>>
          %dma_wait3A_94 = tpu.memref_squeeze %dma_wait3A_93 : memref<1x80x128xf32, #tpu.memory_space<hbm>> -> memref<80x128xf32, #tpu.memory_space<hbm>>
          %dma_wait3A_95 = arith.constant 0 : i32
          %dma_wait3A_96 = arith.constant 0 : i32
          %dma_wait3A_97 = tpu.memref_slice %arg6[%run_scoped3A_69, %dma_wait3A_95, %dma_wait3A_96] : memref<2x80x128xf32, #tpu.memory_space<vmem>> -> memref<1x80x128xf32, #tpu.memory_space<vmem>>
          %dma_wait3A_98 = tpu.memref_squeeze %dma_wait3A_97 : memref<1x80x128xf32, #tpu.memory_space<vmem>> -> memref<80x128xf32, #tpu.memory_space<vmem>>
          tpu.wait_dma2 semaphore(%run_scoped3A_70 : memref<!tpu.dma_semaphore, #tpu.memory_space<semaphore_mem>>) src(%dma_wait3A_98 : memref<80x128xf32, #tpu.memory_space<vmem>>) dst(%dma_wait3A_94 : memref<80x128xf32, #tpu.memory_space<hbm>>)
          tpu.yield
        }) : () -> ()
      } else {
      }
    }
    %scan3A_57 = arith.constant 8 : i32
    return
  }
}

module attributes {stable_mosaic.version = 14 : i64} {
  func.func @_tables_body(%arg0: i32, %arg1: memref<2000x128xf32, #tpu.memory_space<vmem>>, %arg2: memref<128x256xf32, #tpu.memory_space<vmem>>, %arg3: memref<128x256xf32, #tpu.memory_space<vmem>>, %arg4: memref<2000x128xf32, #tpu.memory_space<vmem>>, %arg5: memref<2000x128xf32, #tpu.memory_space<vmem>>) attributes {dimension_semantics = [#tpu.dimension_semantics<arbitrary>], iteration_bounds = array<i64: 5>, scalar_prefetch = 0 : i64, scratch_operands = 0 : i64, tpu.core_type = #tpu.core_type<tc>, window_params = [{transform_indices = @transform_0, window_bounds = array<i64: 2000, 128>}, {pipeline_mode = #tpu.pipeline_mode<synchronous>, transform_indices = @transform_1, window_bounds = array<i64: 128, 256>}, {pipeline_mode = #tpu.pipeline_mode<synchronous>, transform_indices = @transform_2, window_bounds = array<i64: 128, 256>}, {transform_indices = @transform_3, window_bounds = array<i64: 2000, 128>}, {transform_indices = @transform_4, window_bounds = array<i64: 2000, 128>}]} {
    %get3A = arith.constant 0 : index
    %get3A_0 = arith.constant 0 : index
    %get3A_1 = vector.load %arg1[%get3A, %get3A_0] : memref<2000x128xf32, #tpu.memory_space<vmem>>, vector<2000x128xf32>
    %get3A_2 = arith.constant 0 : index
    %get3A_3 = arith.constant 0 : index
    %get3A_4 = vector.load %arg2[%get3A_2, %get3A_3] : memref<128x256xf32, #tpu.memory_space<vmem>>, vector<128x256xf32>
    %dot_general3A = arith.constant dense<0.000000e+00> : vector<2000x256xf32>
    %dot_general3A_5 = tpu.matmul %get3A_1, %get3A_4, %dot_general3A {dimension_numbers = #tpu.dot_dimension_numbers<[1], [0], [0], [1], [0, 0, 1, 1], [], []>, transpose_lhs_hint = false} : vector<2000x128xf32>, vector<128x256xf32>, vector<2000x256xf32> -> vector<2000x256xf32>
    %get3A_6 = arith.constant 0 : index
    %get3A_7 = arith.constant 0 : index
    %get3A_8 = vector.load %arg3[%get3A_6, %get3A_7] : memref<128x256xf32, #tpu.memory_space<vmem>>, vector<128x256xf32>
    %dot_general3A_9 = arith.constant dense<0.000000e+00> : vector<2000x256xf32>
    %dot_general3A_10 = tpu.matmul %get3A_1, %get3A_8, %dot_general3A_9 {dimension_numbers = #tpu.dot_dimension_numbers<[1], [0], [0], [1], [0, 0, 1, 1], [], []>, transpose_lhs_hint = false} : vector<2000x128xf32>, vector<128x256xf32>, vector<2000x256xf32> -> vector<2000x256xf32>
    %slice3A = vector.extract_strided_slice %dot_general3A_5 {offsets = [0, 0], sizes = [2000, 128], strides = [1, 1]} : vector<2000x256xf32> to vector<2000x128xf32>
    %slice3A_11 = vector.extract_strided_slice %dot_general3A_5 {offsets = [0, 128], sizes = [2000, 128], strides = [1, 1]} : vector<2000x256xf32> to vector<2000x128xf32>
    %bitcast_convert_type3A = tpu.bitcast %slice3A : vector<2000x128xf32> -> vector<2000x128xi32>
    %add3A = arith.constant 32768 : i32
    %add3A_12 = vector.broadcast %add3A : i32 to vector<2000x128xi32>
    %add3A_13 = arith.addi %bitcast_convert_type3A, %add3A_12 : vector<2000x128xi32>
    %shift_right_logical3A = arith.constant 16 : i32
    %shift_right_logical3A_14 = vector.broadcast %shift_right_logical3A : i32 to vector<2000x128xi32>
    %shift_right_logical3A_15 = arith.shrui %add3A_13, %shift_right_logical3A_14 : vector<2000x128xi32>
    %bitcast_convert_type3A_16 = tpu.bitcast %slice3A_11 : vector<2000x128xf32> -> vector<2000x128xi32>
    %add3A_17 = arith.constant 32768 : i32
    %add3A_18 = vector.broadcast %add3A_17 : i32 to vector<2000x128xi32>
    %add3A_19 = arith.addi %bitcast_convert_type3A_16, %add3A_18 : vector<2000x128xi32>
    %and3A = arith.constant -65536 : i32
    %and3A_20 = vector.broadcast %and3A : i32 to vector<2000x128xi32>
    %and3A_21 = arith.andi %add3A_19, %and3A_20 : vector<2000x128xi32>
    %or3A = arith.ori %shift_right_logical3A_15, %and3A_21 : vector<2000x128xi32>
    %bitcast_convert_type3A_22 = tpu.bitcast %or3A : vector<2000x128xi32> -> vector<2000x128xf32>
    %swap3A = arith.constant 0 : index
    %swap3A_23 = arith.constant 0 : index
    %swap3A_24 = vector.load %arg4[%swap3A, %swap3A_23] : memref<2000x128xf32, #tpu.memory_space<vmem>>, vector<2000x128xf32>
    tpu.vector_store %arg4[%swap3A, %swap3A_23], %bitcast_convert_type3A_22 {strides = array<i32>} : memref<2000x128xf32, #tpu.memory_space<vmem>>, vector<2000x128xf32>,
    %slice3A_25 = vector.extract_strided_slice %dot_general3A_10 {offsets = [0, 0], sizes = [2000, 128], strides = [1, 1]} : vector<2000x256xf32> to vector<2000x128xf32>
    %slice3A_26 = vector.extract_strided_slice %dot_general3A_10 {offsets = [0, 128], sizes = [2000, 128], strides = [1, 1]} : vector<2000x256xf32> to vector<2000x128xf32>
    %bitcast_convert_type3A_27 = tpu.bitcast %slice3A_25 : vector<2000x128xf32> -> vector<2000x128xi32>
    %add3A_28 = arith.constant 32768 : i32
    %add3A_29 = vector.broadcast %add3A_28 : i32 to vector<2000x128xi32>
    %add3A_30 = arith.addi %bitcast_convert_type3A_27, %add3A_29 : vector<2000x128xi32>
    %shift_right_logical3A_31 = arith.constant 16 : i32
    %shift_right_logical3A_32 = vector.broadcast %shift_right_logical3A_31 : i32 to vector<2000x128xi32>
    %shift_right_logical3A_33 = arith.shrui %add3A_30, %shift_right_logical3A_32 : vector<2000x128xi32>
    %bitcast_convert_type3A_34 = tpu.bitcast %slice3A_26 : vector<2000x128xf32> -> vector<2000x128xi32>
    %add3A_35 = arith.constant 32768 : i32
    %add3A_36 = vector.broadcast %add3A_35 : i32 to vector<2000x128xi32>
    %add3A_37 = arith.addi %bitcast_convert_type3A_34, %add3A_36 : vector<2000x128xi32>
    %and3A_38 = arith.constant -65536 : i32
    %and3A_39 = vector.broadcast %and3A_38 : i32 to vector<2000x128xi32>
    %and3A_40 = arith.andi %add3A_37, %and3A_39 : vector<2000x128xi32>
    %or3A_41 = arith.ori %shift_right_logical3A_33, %and3A_40 : vector<2000x128xi32>
    %bitcast_convert_type3A_42 = tpu.bitcast %or3A_41 : vector<2000x128xi32> -> vector<2000x128xf32>
    %swap3A_43 = arith.constant 0 : index
    %swap3A_44 = arith.constant 0 : index
    %swap3A_45 = vector.load %arg5[%swap3A_43, %swap3A_44] : memref<2000x128xf32, #tpu.memory_space<vmem>>, vector<2000x128xf32>
    tpu.vector_store %arg5[%swap3A_43, %swap3A_44], %bitcast_convert_type3A_42 {strides = array<i32>} : memref<2000x128xf32, #tpu.memory_space<vmem>>, vector<2000x128xf32>,
    return
  }
  func.func @transform_0(%arg0: i32) -> (i32, i32) {
    %c0_i32 = arith.constant 0 : i32
    %c0_i32_0 = arith.constant 0 : i32
    return %arg0, %c0_i32 : i32, i32
  }
  func.func @transform_1(%arg0: i32) -> (i32, i32) {
    %c0_i32 = arith.constant 0 : i32
    %c0_i32_0 = arith.constant 0 : i32
    %c0_i32_1 = arith.constant 0 : i32
    return %c0_i32, %c0_i32_0 : i32, i32
  }
  func.func @transform_2(%arg0: i32) -> (i32, i32) {
    %c0_i32 = arith.constant 0 : i32
    %c0_i32_0 = arith.constant 0 : i32
    %c0_i32_1 = arith.constant 0 : i32
    return %c0_i32, %c0_i32_0 : i32, i32
  }
  func.func @transform_3(%arg0: i32) -> (i32, i32) {
    %c0_i32 = arith.constant 0 : i32
    %c0_i32_0 = arith.constant 0 : i32
    return %arg0, %c0_i32 : i32, i32
  }
  func.func @transform_4(%arg0: i32) -> (i32, i32) {
    %c0_i32 = arith.constant 0 : i32
    %c0_i32_0 = arith.constant 0 : i32
    return %arg0, %c0_i32 : i32, i32
  }
}

module attributes {stable_mosaic.version = 14 : i64} {
  func.func @_msg_body(%arg0: i32, %arg1: memref<6400x128xf32, #tpu.memory_space<vmem>>, %arg2: memref<6400x128xf32, #tpu.memory_space<vmem>>, %arg3: memref<6400x16xf32, #tpu.memory_space<vmem>>, %arg4: memref<16x256xf32, #tpu.memory_space<vmem>>, %arg5: memref<1x256xf32, #tpu.memory_space<vmem>>, %arg6: memref<6400x128xf32, #tpu.memory_space<vmem>>) attributes {dimension_semantics = [#tpu.dimension_semantics<arbitrary>], iteration_bounds = array<i64: 50>, scalar_prefetch = 0 : i64, scratch_operands = 0 : i64, tpu.core_type = #tpu.core_type<tc>, window_params = [{transform_indices = @transform_0, window_bounds = array<i64: 6400, 128>}, {transform_indices = @transform_1, window_bounds = array<i64: 6400, 128>}, {transform_indices = @transform_2, window_bounds = array<i64: 6400, 16>}, {pipeline_mode = #tpu.pipeline_mode<synchronous>, transform_indices = @transform_3, window_bounds = array<i64: 16, 256>}, {pipeline_mode = #tpu.pipeline_mode<synchronous>, transform_indices = @transform_4, window_bounds = array<i64: 1, 256>}, {transform_indices = @transform_5, window_bounds = array<i64: 6400, 128>}]} {
    %get3A = arith.constant 0 : index
    %get3A_0 = arith.constant 0 : index
    %get3A_1 = vector.load %arg1[%get3A, %get3A_0] : memref<6400x128xf32, #tpu.memory_space<vmem>>, vector<6400x128xf32>
    %bitcast_convert_type3A = tpu.bitcast %get3A_1 : vector<6400x128xf32> -> vector<6400x128xi32>
    %shift_left3A = arith.constant 16 : i32
    %shift_left3A_2 = vector.broadcast %shift_left3A : i32 to vector<6400x128xi32>
    %shift_left3A_3 = arith.shli %bitcast_convert_type3A, %shift_left3A_2 : vector<6400x128xi32>
    %bitcast_convert_type3A_4 = tpu.bitcast %shift_left3A_3 : vector<6400x128xi32> -> vector<6400x128xf32>
    %and3A = arith.constant -65536 : i32
    %and3A_5 = vector.broadcast %and3A : i32 to vector<6400x128xi32>
    %and3A_6 = arith.andi %bitcast_convert_type3A, %and3A_5 : vector<6400x128xi32>
    %bitcast_convert_type3A_7 = tpu.bitcast %and3A_6 : vector<6400x128xi32> -> vector<6400x128xf32>
    %get3A_8 = arith.constant 0 : index
    %get3A_9 = arith.constant 0 : index
    %get3A_10 = vector.load %arg2[%get3A_8, %get3A_9] : memref<6400x128xf32, #tpu.memory_space<vmem>>, vector<6400x128xf32>
    %bitcast_convert_type3A_11 = tpu.bitcast %get3A_10 : vector<6400x128xf32> -> vector<6400x128xi32>
    %shift_left3A_12 = arith.constant 16 : i32
    %shift_left3A_13 = vector.broadcast %shift_left3A_12 : i32 to vector<6400x128xi32>
    %shift_left3A_14 = arith.shli %bitcast_convert_type3A_11, %shift_left3A_13 : vector<6400x128xi32>
    %bitcast_convert_type3A_15 = tpu.bitcast %shift_left3A_14 : vector<6400x128xi32> -> vector<6400x128xf32>
    %and3A_16 = arith.constant -65536 : i32
    %and3A_17 = vector.broadcast %and3A_16 : i32 to vector<6400x128xi32>
    %and3A_18 = arith.andi %bitcast_convert_type3A_11, %and3A_17 : vector<6400x128xi32>
    %bitcast_convert_type3A_19 = tpu.bitcast %and3A_18 : vector<6400x128xi32> -> vector<6400x128xf32>
    %get3A_20 = arith.constant 0 : index
    %get3A_21 = arith.constant 0 : index
    %get3A_22 = vector.load %arg3[%get3A_20, %get3A_21] : memref<6400x16xf32, #tpu.memory_space<vmem>>, vector<6400x16xf32>
    %get3A_23 = arith.constant 0 : index
    %get3A_24 = arith.constant 0 : index
    %get3A_25 = vector.load %arg4[%get3A_23, %get3A_24] : memref<16x256xf32, #tpu.memory_space<vmem>>, vector<16x256xf32>
    %dot_general3A = arith.constant dense<0.000000e+00> : vector<6400x256xf32>
    %dot_general3A_26 = tpu.matmul %get3A_22, %get3A_25, %dot_general3A {dimension_numbers = #tpu.dot_dimension_numbers<[1], [0], [0], [1], [0, 0, 1, 1], [], []>, transpose_lhs_hint = false} : vector<6400x16xf32>, vector<16x256xf32>, vector<6400x256xf32> -> vector<6400x256xf32>
    %get3A_27 = arith.constant 0 : index
    %get3A_28 = arith.constant 0 : index
    %get3A_29 = vector.load %arg5[%get3A_27, %get3A_28] : memref<1x256xf32, #tpu.memory_space<vmem>>, vector<1x256xf32>
    %add3A = vector.broadcast %get3A_29 : vector<1x256xf32> to vector<6400x256xf32>
    %add3A_30 = arith.addf %dot_general3A_26, %add3A : vector<6400x256xf32>
    %add3A_31 = arith.addf %bitcast_convert_type3A_4, %bitcast_convert_type3A_15 : vector<6400x128xf32>
    %slice3A = vector.extract_strided_slice %add3A_30 {offsets = [0, 0], sizes = [6400, 128], strides = [1, 1]} : vector<6400x256xf32> to vector<6400x128xf32>
    %add3A_32 = arith.addf %add3A_31, %slice3A : vector<6400x128xf32>
    %add3A_33 = arith.addf %bitcast_convert_type3A_7, %bitcast_convert_type3A_19 : vector<6400x128xf32>
    %slice3A_34 = vector.extract_strided_slice %add3A_30 {offsets = [0, 128], sizes = [6400, 128], strides = [1, 1]} : vector<6400x256xf32> to vector<6400x128xf32>
    %add3A_35 = arith.addf %add3A_33, %slice3A_34 : vector<6400x128xf32>
    %neg3A = arith.constant 0.000000e+00 : f32
    %neg3A_36 = vector.broadcast %neg3A : f32 to vector<6400x128xf32>
    %neg3A_37 = arith.subf %neg3A_36, %add3A_32 : vector<6400x128xf32>
    %exp3A = math.exp %neg3A_37 : vector<6400x128xf32>
    %add3A_38 = arith.constant 1.000000e+00 : f32
    %add3A_39 = vector.broadcast %add3A_38 : f32 to vector<6400x128xf32>
    %add3A_40 = arith.addf %add3A_39, %exp3A : vector<6400x128xf32>
    %div3A = arith.constant 1.000000e+00 : f32
    %div3A_41 = vector.broadcast %div3A : f32 to vector<6400x128xf32>
    %div3A_42 = arith.divf %div3A_41, %add3A_40 : vector<6400x128xf32>
    %max3A = arith.constant 0.000000e+00 : f32
    %max3A_43 = vector.broadcast %max3A : f32 to vector<6400x128xf32>
    %max3A_44 = arith.maximumf %add3A_35, %max3A_43 : vector<6400x128xf32>
    %abs3A = math.absf %add3A_35 : vector<6400x128xf32>
    %neg3A_45 = arith.constant 0.000000e+00 : f32
    %neg3A_46 = vector.broadcast %neg3A_45 : f32 to vector<6400x128xf32>
    %neg3A_47 = arith.subf %neg3A_46, %abs3A : vector<6400x128xf32>
    %exp3A_48 = math.exp %neg3A_47 : vector<6400x128xf32>
    %add3A_49 = arith.constant 1.000000e+00 : f32
    %add3A_50 = vector.broadcast %add3A_49 : f32 to vector<6400x128xf32>
    %add3A_51 = arith.addf %add3A_50, %exp3A_48 : vector<6400x128xf32>
    %log3A = math.log %add3A_51 : vector<6400x128xf32>
    %add3A_52 = arith.addf %max3A_44, %log3A : vector<6400x128xf32>
    %mul3A = arith.mulf %div3A_42, %add3A_52 : vector<6400x128xf32>
    %swap3A = arith.constant 0 : index
    %swap3A_53 = arith.constant 0 : index
    %swap3A_54 = vector.load %arg6[%swap3A, %swap3A_53] : memref<6400x128xf32, #tpu.memory_space<vmem>>, vector<6400x128xf32>
    tpu.vector_store %arg6[%swap3A, %swap3A_53], %mul3A {strides = array<i32>} : memref<6400x128xf32, #tpu.memory_space<vmem>>, vector<6400x128xf32>,
    return
  }
  func.func @transform_0(%arg0: i32) -> (i32, i32) {
    %c0_i32 = arith.constant 0 : i32
    %c0_i32_0 = arith.constant 0 : i32
    return %arg0, %c0_i32 : i32, i32
  }
  func.func @transform_1(%arg0: i32) -> (i32, i32) {
    %c0_i32 = arith.constant 0 : i32
    %c0_i32_0 = arith.constant 0 : i32
    return %arg0, %c0_i32 : i32, i32
  }
  func.func @transform_2(%arg0: i32) -> (i32, i32) {
    %c0_i32 = arith.constant 0 : i32
    %c0_i32_0 = arith.constant 0 : i32
    return %arg0, %c0_i32 : i32, i32
  }
  func.func @transform_3(%arg0: i32) -> (i32, i32) {
    %c0_i32 = arith.constant 0 : i32
    %c0_i32_0 = arith.constant 0 : i32
    %c0_i32_1 = arith.constant 0 : i32
    return %c0_i32, %c0_i32_0 : i32, i32
  }
  func.func @transform_4(%arg0: i32) -> (i32, i32) {
    %c0_i32 = arith.constant 0 : i32
    %c0_i32_0 = arith.constant 0 : i32
    %c0_i32_1 = arith.constant 0 : i32
    return %c0_i32, %c0_i32_0 : i32, i32
  }
  func.func @transform_5(%arg0: i32) -> (i32, i32) {
    %c0_i32 = arith.constant 0 : i32
    %c0_i32_0 = arith.constant 0 : i32
    return %arg0, %c0_i32 : i32, i32
  }
}

module attributes {stable_mosaic.version = 14 : i64} {
  func.func @_final_body(%arg0: memref<2x10000x128xf32, #tpu.memory_space<vmem>>, %arg1: memref<10000x128xf32, #tpu.memory_space<vmem>>, %arg2: memref<1x128xf32, #tpu.memory_space<vmem>>, %arg3: memref<1x128xf32, #tpu.memory_space<vmem>>, %arg4: memref<10000x128xf32, #tpu.memory_space<vmem>>) attributes {dimension_semantics = [], scalar_prefetch = 0 : i64, scratch_operands = 0 : i64, tpu.core_type = #tpu.core_type<tc>} {
    %get3A = arith.constant 0 : index
    %get3A_0 = arith.constant 0 : index
    %get3A_1 = arith.constant 0 : index
    %get3A_2 = vector.load %arg0[%get3A, %get3A_0, %get3A_1] : memref<2x10000x128xf32, #tpu.memory_space<vmem>>, vector<1x10000x128xf32>
    %get3A_3 = vector.shape_cast %get3A_2 : vector<1x10000x128xf32> to vector<10000x128xf32>
    %get3A_4 = arith.constant 1 : index
    %get3A_5 = arith.constant 0 : index
    %get3A_6 = arith.constant 0 : index
    %get3A_7 = vector.load %arg0[%get3A_4, %get3A_5, %get3A_6] : memref<2x10000x128xf32, #tpu.memory_space<vmem>>, vector<1x10000x128xf32>
    %get3A_8 = vector.shape_cast %get3A_7 : vector<1x10000x128xf32> to vector<10000x128xf32>
    %add3A = arith.addf %get3A_3, %get3A_8 : vector<10000x128xf32>
    %reduce_sum3A = arith.constant dense<0.000000e+00> : vector<128xf32>
    %reduce_sum3A_9 = vector.multi_reduction <add>, %add3A, %reduce_sum3A [0] : vector<10000x128xf32> to vector<128xf32>
    %broadcast_in_dim3A = vector.shape_cast %reduce_sum3A_9 : vector<128xf32> to vector<1x128xf32>
    %div3A = arith.constant 1.000000e+04 : f32
    %div3A_10 = vector.broadcast %div3A : f32 to vector<1x128xf32>
    %div3A_11 = arith.divf %broadcast_in_dim3A, %div3A_10 : vector<1x128xf32>
    %sub3A = vector.broadcast %div3A_11 : vector<1x128xf32> to vector<10000x128xf32>
    %sub3A_12 = arith.subf %add3A, %sub3A : vector<10000x128xf32>
    %mul3A = arith.mulf %sub3A_12, %sub3A_12 : vector<10000x128xf32>
    %reduce_sum3A_13 = arith.constant dense<0.000000e+00> : vector<128xf32>
    %reduce_sum3A_14 = vector.multi_reduction <add>, %mul3A, %reduce_sum3A_13 [0] : vector<10000x128xf32> to vector<128xf32>
    %broadcast_in_dim3A_15 = vector.shape_cast %reduce_sum3A_14 : vector<128xf32> to vector<1x128xf32>
    %div3A_16 = arith.constant 1.000000e+04 : f32
    %div3A_17 = vector.broadcast %div3A_16 : f32 to vector<1x128xf32>
    %div3A_18 = arith.divf %broadcast_in_dim3A_15, %div3A_17 : vector<1x128xf32>
    %get3A_19 = arith.constant 0 : index
    %get3A_20 = arith.constant 0 : index
    %get3A_21 = vector.load %arg1[%get3A_19, %get3A_20] : memref<10000x128xf32, #tpu.memory_space<vmem>>, vector<10000x128xf32>
    %add3A_22 = arith.constant 9.99999974E-6 : f32
    %add3A_23 = vector.broadcast %add3A_22 : f32 to vector<1x128xf32>
    %add3A_24 = arith.addf %div3A_18, %add3A_23 : vector<1x128xf32>
    %rsqrt3A = math.rsqrt %add3A_24 : vector<1x128xf32>
    %mul3A_25 = vector.broadcast %rsqrt3A : vector<1x128xf32> to vector<10000x128xf32>
    %mul3A_26 = arith.mulf %sub3A_12, %mul3A_25 : vector<10000x128xf32>
    %get3A_27 = arith.constant 0 : index
    %get3A_28 = arith.constant 0 : index
    %get3A_29 = vector.load %arg2[%get3A_27, %get3A_28] : memref<1x128xf32, #tpu.memory_space<vmem>>, vector<1x128xf32>
    %mul3A_30 = vector.broadcast %get3A_29 : vector<1x128xf32> to vector<10000x128xf32>
    %mul3A_31 = arith.mulf %mul3A_26, %mul3A_30 : vector<10000x128xf32>
    %add3A_32 = arith.addf %get3A_21, %mul3A_31 : vector<10000x128xf32>
    %get3A_33 = arith.constant 0 : index
    %get3A_34 = arith.constant 0 : index
    %get3A_35 = vector.load %arg3[%get3A_33, %get3A_34] : memref<1x128xf32, #tpu.memory_space<vmem>>, vector<1x128xf32>
    %add3A_36 = vector.broadcast %get3A_35 : vector<1x128xf32> to vector<10000x128xf32>
    %add3A_37 = arith.addf %add3A_32, %add3A_36 : vector<10000x128xf32>
    %swap3A = arith.constant 0 : index
    %swap3A_38 = arith.constant 0 : index
    %swap3A_39 = vector.load %arg4[%swap3A, %swap3A_38] : memref<10000x128xf32, #tpu.memory_space<vmem>>, vector<10000x128xf32>
    tpu.vector_store %arg4[%swap3A, %swap3A_38], %add3A_37 {strides = array<i32>} : memref<10000x128xf32, #tpu.memory_space<vmem>>, vector<10000x128xf32>,
    return
  }
}

</mosaic_0001>

<sc_bundles>
// kernel: kernel.10.cloned.1.call-start
scs
__scs_entry_jumppad:
0x0: {  	(pc) =	sbr.rel $0x88, $3  }
0x1: {  	(tag) =	ssettag $0x0;
	lr =	simm.s32 $0x1  }
0x2: {  	[smem:$0x3F98] =	sst lr;
	_ =	strace $0xD0000000  }
0x3: {  	_ = 	snop  }
0x4: {  	_ = 	snop  }
0x5: {  	_ = 	snop  }
0x6: {  	_ = 	snop  }
0x7: {  	_ = 	snop  }
__scs_overlays_trampoline_lowered:
0x8: {  	[smem:$0x3FA7] =	sst s0  }
0x9: {  	[smem:$0x3FA8] =	sst s1  }
0xa: {  	[smem:$0x3FA9] =	sst s2  }
0xb: {  	[smem:$0x3FAA] =	sst s3  }
0xc: {  	[smem:$0x3FAB] =	sst s4  }
0xd: {  	[smem:$0x3FAC] =	sst s5  }
0xe: {  	[smem:$0x3FAD] =	sst s6  }
0xf: {  	[smem:$0x3FAE] =	sst s7  }
0x10: {  	[smem:$0x3FAF] =	sst s8  }
0x11: {  	[smem:$0x3FB0] =	sst s9;
	s0 =	simm.s32 @!p0 $0x0  }
0x12: {  	s1 =	sld [smem:$0x3F96];
	s0 =	simm.s32 @p0 $0x1  }
0x13: {  	[smem:$0x3FB1] =	sst s0;
	s0 =	simm.s32 @!p1 $0x0  }
0x14: {  	s2 =	sld [smem:$0x3F95];
	s0 =	simm.s32 @p1 $0x1  }
0x15: {  	[smem:$0x3FB2] =	sst s0;
	s0 =	simm.s32 @!p2 $0x0  }
0x16: {  	s3 =	sld [smem:$0x3FDB];
	s0 =	simm.s32 @p2 $0x1  }
0x17: {  	s4 =	simm.s32 $0x1BF5;
	[smem:$0x3FB4] =	sst s0  }
0x18: {  	s0 =	sld [smem:$0x3F97];
	_ =	swait.ge [sflag:s4], $0x0  }
0x19: {  	s7 =	sld [smem:$0x3F98]  }
0x1a: {  	s8 =	sadd.s32 $0xFFFFE003, lr  }
0x1b: {  	s9 =	sadd.s32 $0xFFFFFEF7, lr;
	s5 =	simm.s32 $0xFFFFFFFF;
	p2 =	slt.u32 s8, $0xFFFFF086  }
0x1c: {  	p1 =	slt.u32 s9, $0xF7A;
	s5 =	simm.s32 @!p2 $0x0  }
0x1d: {  	s5 =	simm.s32 @p1 $0x1;
	p0 =	seq.s32 s7, s2  }
0x1e: {  	s7 =	smul.u32 @!p0 $0xF7A, s2;
	p2 =	seq.s32 @!p0 s5, $0x0  }
0x1f: {  	s9 =	smul.u32 $0xF7A, s1;
	s8 =	simm.s32 @!p0 $0x1BF5;
	p2 =	por !p2, p0  }
0x20: {  	[sflag:s8] =	ssyncset.s32 @!p0 $0xFFFFF086;
	s6 =	sadd.s32 @!p0 s3, s7;
	s7 =	simm.s32 @!p0 $0x108  }
0x21: {  	s3 =	sadd.s32 s3, s9;
	s6 =	sadd.s32 @!p0 $0x88, s6;
	s7 =	simm.s32 @p2 $0x1082  }
0x22: {  	[simem:s7], [sflag:s8] =	dma.local @!p0 [hbm:s6], $0xF7A  }
0x23: {  	s9 =	sor.u32 $0xD0000000, s2;
	s6 =	simm.s32 $0x108;
	_ =	swait.ge @!p0 [sflag:s8], $0x0  }
0x24: {  	s3 =	sadd.s32 $0x88, s3;
	s6 =	simm.s32 @!p1 $0x1082;
	[sflag:s4] =	ssyncset.s32 $0xFFFFF086  }
0x25: {  	[simem:s6], [sflag:s4] =	dma.local [hbm:s3], $0xF7A  }
0x26: {  	[smem:$0x3F98] =	sst s1;
	(tag) =	ssettag s2;
	_ =	strace s9  }
0x27: {  	s1 =	sld [smem:$0x3FA8]  }
0x28: {  	s2 =	sld [smem:$0x3FA9]  }
0x29: {  	s4 =	sld [smem:$0x3FAB]  }
0x2a: {  	p0 =	seq.s32 s5, $0x0;
	s5 =	sld [smem:$0x3FAC]  }
0x2b: {  	s6 =	sld [smem:$0x3FAD]  }
0x2c: {  	s7 =	sld [smem:$0x3FAE]  }
0x2d: {  	s3 =	simm.s32 $0x108;
	s8 =	sld [smem:$0x3FAF]  }
0x2e: {  	s3 =	simm.s32 @!p0 $0x1082;
	s9 =	sld [smem:$0x3FB0]  }
0x2f: {  	lr =	sadd.s32 s0, s3;
	s0 =	sld [smem:$0x3FA7]  }
0x30: {  	s3 =	sld [smem:$0x3FAA]  }
0x31: {  	[smem:$0x3FB3] =	sst s10  }
0x32: {  	s10 =	sld [smem:$0x3FB1];
	_ =	sdelay $0x3  }
0x33: {  	p0 =	seq.s32 s10, $0x1;
	s10 =	sld [smem:$0x3FB3];
	_ =	sdelay $0x3  }
0x34: {  	[smem:$0x3FB3] =	sst s10  }
0x35: {  	s10 =	sld [smem:$0x3FB2];
	_ =	sdelay $0x3  }
0x36: {  	p1 =	seq.s32 s10, $0x1;
	s10 =	sld [smem:$0x3FB3];
	_ =	sdelay $0x3  }
0x37: {  	[smem:$0x3FB3] =	sst s10  }
0x38: {  	s10 =	sld [smem:$0x3FB4]  }
0x39: {  	_ = 	snop;
	(pc) =	sbr.ind lr, $3  }
0x3a: {  	_ = 	snop  }
0x3b: {  	_ = 	snop  }
0x3c: {  	p2 =	seq.s32 s10, $0x1;
	s10 =	sld [smem:$0x3FB3]  }
0x3d: {  	_ =	shalt  }
0x3e: {  	_ =	shalt  }
0x3f: {  	_ =	shalt  }
0x40: {  	_ =	shalt  }
0x41: {  	_ =	shalt  }
0x42: {  	_ =	shalt  }
0x43: {  	_ =	shalt  }
0x44: {  	_ =	shalt  }
0x45: {  	_ =	shalt  }
0x46: {  	_ =	shalt  }
0x47: {  	_ =	shalt  }
0x48: {  	_ =	shalt  }
0x49: {  	_ =	shalt  }
0x4a: {  	_ =	shalt  }
0x4b: {  	_ =	shalt  }
0x4c: {  	_ =	shalt  }
0x4d: {  	_ =	shalt  }
0x4e: {  	_ =	shalt  }
0x4f: {  	_ =	shalt  }
0x50: {  	_ =	shalt  }
0x51: {  	_ =	shalt  }
0x52: {  	_ =	shalt  }
0x53: {  	_ =	shalt  }
0x54: {  	_ =	shalt  }
0x55: {  	_ =	shalt  }
0x56: {  	_ =	shalt  }
0x57: {  	_ =	shalt  }
0x58: {  	_ =	shalt  }
0x59: {  	_ =	shalt  }
0x5a: {  	_ =	shalt  }
0x5b: {  	_ =	shalt  }
0x5c: {  	_ =	shalt  }
0x5d: {  	_ =	shalt  }
0x5e: {  	_ =	shalt  }
0x5f: {  	_ =	shalt  }
0x60: {  	_ =	shalt  }
0x61: {  	_ =	shalt  }
0x62: {  	_ =	shalt  }
0x63: {  	_ =	shalt  }
0x64: {  	_ =	shalt  }
0x65: {  	_ =	shalt  }
0x66: {  	_ =	shalt  }
0x67: {  	_ =	shalt  }
0x68: {  	_ =	shalt  }
0x69: {  	_ =	shalt  }
0x6a: {  	_ =	shalt  }
0x6b: {  	_ =	shalt  }
0x6c: {  	_ =	shalt  }
0x6d: {  	_ =	shalt  }
0x6e: {  	_ =	shalt  }
0x6f: {  	_ =	shalt  }
0x70: {  	_ =	shalt  }
0x71: {  	_ =	shalt  }
0x72: {  	_ =	shalt  }
0x73: {  	_ =	shalt  }
0x74: {  	_ =	shalt  }
0x75: {  	_ =	shalt  }
0x76: {  	_ =	shalt  }
0x77: {  	_ =	shalt  }
0x78: {  	_ =	shalt  }
0x79: {  	_ =	shalt  }
0x7a: {  	_ =	shalt  }
0x7b: {  	_ =	shalt  }
0x7c: {  	_ =	shalt  }
0x7d: {  	_ =	shalt  }
0x7e: {  	_ =	shalt  }
0x7f: {  	_ =	shalt  }
0x80: {  	_ =	shalt  }
0x81: {  	_ =	shalt  }
0x82: {  	_ =	shalt  }
0x83: {  	_ =	shalt  }
0x84: {  	_ =	shalt  }
0x85: {  	_ =	shalt  }
0x86: {  	_ =	shalt  }
0x87: {  	_ =	shalt  }
.Lfunc_end0:
.L_simem_size_0:
called_computation.1_lowered:
.L_overlay_start_0:
0x88: {  	s2 =	sld [smem:$0x3FD9]  }
0x89: {  	s3 =	sld [smem:$0x3FFE];
	_ =	sdelay $0x1  }
0x8a: {  	s1 =	srdreg.scid  }
0x8b: {  	s0 =	sand.u32 $0x1, s1  }
0x8c: {  	s16 =	sshll.u32 s0, $0xA;
	s2 =	sadd.s32 s3, s2  }
0x8d: {  	s2 =	sadd.s32 s2, s16  }
0x8e: {  	[smem:$0x3FBF] =	sst s2  }
0x8f: {  	_ = 	snop  }
0x90: {  	(tm) =	ssettm $0x1  }
0x91: {  	s17 =	sld [smem:$0x3FFB];
	_ =	sdelay $0x3  }
0x92: {  	_ =	strace s17  }
0x93: {  	s2 =	sld [smem:$0x3FFC];
	_ =	sdelay $0x3  }
0x94: {  	_ =	strace s2  }
0x95: {  	s2 =	sld [smem:$0x3FFD];
	_ =	sdelay $0x3  }
0x96: {  	_ =	strace s2  }
0x97: {  	_ =	strace $0x8FFFFFFF  }
0x98: {  	s18 =	sld [smem:$0x3FDB];
	_ =	sdelay $0x1  }
0x99: {  	s19 =	simm.s32 $_scs_section_size  }
0x9a: {  	s4 =	simm.s32 $_size__tile_overlayer_lowered;
	s5 =	simm.s32 $_tile_overlayer_lowered  }
0x9b: {  	s22 =	simm.s32 $0x1BFF;
	s21 =	sshll.u32 s5, $0x1;
	s2 =	sadd.s32 s19, s18  }
0x9c: {  	s6 =	simm.s32 $0x0;
	s20 =	sshll.u32 s4, $0x1;
	s4 =	sadd.s32 s21, s2  }
0x9d: {  	[timem:s6], [sflag:s22] =	dma.local [hbm:s4], s20  }
0x9e: {  	_ =	swait.ge [sflag:s22], s20  }
0x9f: {  	s3 =	ssub.s32 $0x0, s20;
	[sflag:s22] =	ssyncset.done $0x0  }
0xa0: {  	[sflag:s22] =	ssyncadd.s32 s3;
	_ =	sdelay $0x1  }
0xa1: {  	s23 =	simm.s32 $0x1B8B  }
0xa2: {  	_ =	swait.ge [sflag:s23], $0x1  }
0xa3: {  	[sflag:s23] =	ssyncset.done $0x0  }
0xa4: {  	s25 =	simm.s32 $0x1B8E;
	s24 =	sld [smem:$0x3FFE];
	[sflag:s23] =	ssyncadd.s32 $0xFFFFFFFF  }
0xa5: {  	s26 =	simm.s32 $execute0_lowered;
	[smem:$0x3FD2] =	sst s25  }
0xa6: {  	s4 =	sshll.u32 s26, $0x1;
	_ =	strace $0x80000049;
	[dreg:$0x1] =	wrdreg $0xFFFFFFFF  }
0xa7: {  	s28 =	simm.s32 $_size_execute0_lowered;
	s2 =	sadd.s32 s2, s4;
	[dreg:$0x0] =	wrdreg $0x0  }
0xa8: {  	s4 =	sshll.u32 s28, $0x1;
	[dreg:$0x2] =	wrdreg s2  }
0xa9: {  	[dreg:$0x3] =	wrdreg s4  }
0xaa: {  	[dreg:$0x4] =	wrdreg $0xC0  }
0xab: {  	_ =	task [dreg:s6], $0x5FFFF  }
0xac: {  	[dreg:$0x1] =	wrdreg $0xFFFFFFFF  }
0xad: {  	[dreg:$0x0] =	wrdreg $0x60  }
0xae: {  	[dreg:$0x2] =	wrdreg s24  }
0xaf: {  	[dreg:$0x3] =	wrdreg $0x51000  }
0xb0: {  	[dreg:$0x4] =	wrdreg $0x9  }
0xb1: {  	_ =	task.clear_ibuf [dreg:s6], $0x5FFFF;
	_ =	strace $0x90000049  }
0xb2: {  	s29 =	simm.s32 $0x9;
	_ =	strace $0x8000004B  }
0xb3: {  	_ =	swait.ge [sflag:s29], $0x1  }
0xb4: {  	[sflag:s29] =	ssyncadd.s32 $0xFFFFFFFF  }
0xb5: {  	_ =	strace $0x9000004B  }
0xb6: {  	_ =	sfence  }
0xb7: {  	s30 =	sld [smem:$0x0];
	_ =	sdelay $0x2  }
0xb8: {  	s31 =	sshll.u32 s1, $0xD;
	s1 =	sshrl.u32 s1, $0x2  }
0xb9: {  	s3 =	sand.u32 $0x4000, s31;
	s1 =	sadd.s32 s1, s30  }
0xba: {  	s0 =	sor.u32 s3, s0;
	s1 =	sshll.u32 s1, $0x11  }
0xbb: {  	s0 =	sor.u32 s1, s0  }
0xbc: {  	s0 =	sadd.s32 $0x8F2B, s0  }
0xbd: {  	[sflag:s0] =	ssyncadd.remote.s32 $0x1  }
0xbe: {  	_ =	sfence.sel $0xFFFF  }
0xbf: {  	[dreg:$0x0] =	wrdreg $0xFFFFFFFF;
	(pc) =	sbr.abs _section_cstart, $3  }
0xc0: {  	[dreg:$0x1] =	wrdreg $0xFFFFFFFF  }
0xc1: {  	_ =	task.clear_ibuf [dreg:s6], $0x2FFFF;
	_ =	strace $0x9FFFFFFF  }
0xc2: {  	(tm) =	ssettm $0x7FFFFFFF  }
0xc3: {  	_ =	shalt  }
tec
execute0_lowered:
.L_overlay_start_1:
0x0: {  	(tag) =	ssettag $0x1  }
0x1: {  	s0 =	srdreg.scid  }
0x2: {  	s16 =	stileid.u32;
	s1 =	rddreg [dreg:$0x1]  }
0x3: {  	s28 =	simm.s32 $0x100;
	s29 =	simm.s32 $0x3;
	s30 =	simm.s32 $0x80  }
0x4: {  	s31 =	simm.s32 $0x2900;
	s2 =	sand.u32 $0x1, s0;
	s0 =	rddreg [dreg:$0x0]  }
0x5: {  	s10 =	smul.u32 $0x2800, s16;
	s15 =	sor.u32 $0x20, s16;
	s17 =	sor.u32 $0x30, s16  }
0x6: {  	s18 =	sor.u32 $0x40, s16;
	s19 =	sor.u32 $0x50, s16;
	s9 =	smul.u32 $0x138800, s2  }
0x7: {  	s20 =	sor.u32 $0x60, s16;
	s21 =	sor.u32 $0x70, s16;
	s12 =	smul.u32 $0x2800, s15  }
0x8: {  	s3 =	sshll.u32 s2, $0x4;
	s4 =	sadd.s32 $0xEE4800, s0;
	s26 =	smul.u32 $0x2800, s17  }
0x9: {  	s5 =	ssub.s32 $0x2, s2;
	s7 =	sadd.s32 $0x17600, s0;
	s14 =	smul.u32 $0x2800, s18  }
0xa: {  	s23 =	smul.u32 $0x2800, s19;
	s3 =	sor.u32 s16, s3;
	s8 =	sshrl.u32 s5, $0x1  }
0xb: {  	p0 =	sgt.u32 s21, $0x7C;
	s6 =	smul.u32 $0x27100, s3;
	s5 =	ssub.s32 s5, s8  }
0xc: {  	s8 =	sor.u32 $0x10, s16;
	s10 =	sadd.s32 s9, s10;
	s25 =	sadd.s32 s9, s12  }
0xd: {  	s22 =	sadd.s32 s9, s26;
	s12 =	sadd.s32 s9, s23;
	s3 =	smul.u32 $0x2710, s3  }
0xe: {  	s11 =	smul.u32 $0x2800, s8;
	s10 =	sshrl.u32 s10, $0x3;
	s13 =	sshrl.u32 s25, $0x3  }
0xf: {  	s25 =	sshrl.u32 s12, $0x3;
	s12 =	simm.s32 $0x0;
	s23 =	smul.u32 $0xA000, s8  }
0x10: {  	s8 =	smul.u32 $0xA000, s18;
	s10 =	sadd.s32 s7, s10;
	[smem:$0x7FF] =	sst s12  }
0x11: {  	s6 =	sadd.s32 s4, s6;
	[dreg:$0x3] =	wrdreg s10;
	s24 =	sadd.s32 s9, s11  }
0x12: {  	s11 =	sadd.s32 s9, s14;
	s14 =	smul.u32 $0x2800, s21;
	s10 =	sshrl.u32 s24, $0x3  }
0x13: {  	[dreg:$0xb] =	wrdreg s6;
	s11 =	sshrl.u32 s11, $0x3;
	s10 =	sadd.s32 s7, s10  }
0x14: {  	s24 =	sadd.s32 s7, s11;
	s11 =	smul.u32 $0x271000, s2;
	[dreg:$0x4] =	wrdreg s10  }
0x15: {  	s2 =	smul.u32 $0x27100, s2;
	s10 =	sadd.s32 s7, s13;
	[dreg:$0x7] =	wrdreg s24  }
0x16: {  	s13 =	smul.u32 $0x2800, s20;
	[dreg:$0x5] =	wrdreg s10;
	s10 =	sshrl.u32 s22, $0x3  }
0x17: {  	s4 =	sadd.s32 s11, s4;
	s22 =	sshrl.u32 s3, $0x3;
	s11 =	smul.u32 $0xA000, s20  }
0x18: {  	s3 =	sshrl.u32 s23, $0x2;
	s26 =	sadd.s32 s9, s13;
	s13 =	smul.u32 $0x27100, s16  }
0x19: {  	s10 =	sadd.s32 s7, s10;
	s9 =	sadd.s32 s9, s14;
	s14 =	smul.u32 $0x2710, s16  }
0x1a: {  	s16 =	smul.u32 $0xA000, s16;
	[dreg:$0x6] =	wrdreg s10;
	s10 =	sadd.s32 s7, s25  }
0x1b: {  	s9 =	sshrl.u32 s9, $0x3;
	s25 =	smul.u32 $0xA000, s15;
	s15 =	smax.u32 s5, $0x1  }
0x1c: {  	s23 =	sshrl.u32 s11, $0x2;
	[dreg:$0x8] =	wrdreg s10;
	s10 =	sshrl.u32 s26, $0x3  }
0x1d: {  	s4 =	sadd.s32 s13, s4;
	s2 =	sadd.s32 s14, s2;
	s13 =	sadd.s32 $0xD800, s0  }
0x1e: {  	s24 =	sshrl.u32 s16, $0x2;
	s26 =	smul.u32 $0xA000, s17;
	s17 =	sadd.s32 s3, s1  }
0x1f: {  	s10 =	sadd.s32 s7, s10;
	s7 =	sadd.s32 s7, s9;
	s14 =	sadd.s32 s13, s22  }
0x20: {  	s16 =	sadd.s32 s24, s1;
	s9 =	smul.u32 $0xA000, s19;
	[dreg:$0x9] =	wrdreg s10  }
0x21: {  	s22 =	smul.u32 $0xA000, s21;
	[dreg:$0xa] =	wrdreg s7;
	s7 =	sshrl.u32 s25, $0x2  }
0x22: {  	s0 =	sshrl.u32 s26, $0x2;
	s10 =	sshrl.u32 s8, $0x2;
	s25 =	sadd.s32 $0x50, s2  }
0x23: {  	s8 =	simm.s32 $0x1;
	_ =	strace $0x8000004A;
	s18 =	sadd.s32 s7, s1  }
0x24: {  	s3 =	sshrl.u32 s9, $0x2;
	s19 =	sadd.s32 s0, s1;
	s20 =	sadd.s32 s10, s1  }
0x25: {  	s24 =	sshrl.u32 s22, $0x2;
	s22 =	sadd.s32 s23, s1;
	s26 =	sshrl.u32 s25, $0x3  }
0x26: {  	s25 =	sadd.s32 $0xA0, s2;
	s0 =	simm.s32 $0x50;
	s2 =	simm.s32 $0x2  }
0x27: {  	s21 =	sadd.s32 s3, s1;
	s23 =	sadd.s32 s24, s1;
	s24 =	sadd.s32 $0xA00, s4  }
0x28: {  	v0 =	vimm.f32 $0.0e+00;
	s26 =	sadd.s32 s26, s13;
	s3 =	simm.s32 $0x4;
	s4 =	simm.s32 $0x0  }
.LBB2_1:
0x29: {  	s5 =	simm.s32 $0x0;
	s6 =	simm.s32 $0x200  }
.LBB2_2:
0x2a: {  	p1 =	sne.s32 s6, $0x9E00;
	[tilespmem:s5+$0x170] =	vst v0  }
0x2b: {  	[tilespmem:s5+$0x100] =	vst v0  }
0x2c: {  	[tilespmem:s5+$0x110] =	vst v0  }
.Ltmp0:
0x2d: {  	[tilespmem:s5+$0x120] =	vst v0;
	(pc) =	sbr.rel @p1 .LBB2_2-.Ltmp0, $4  }
0x2e: {  	[tilespmem:s5+$0x130] =	vst v0  }
0x2f: {  	[tilespmem:s5+$0x140] =	vst v0  }
0x30: {  	[tilespmem:s5+$0x150] =	vst v0  }
0x31: {  	[tilespmem:s5+$0x160] =	vst v0;
	s5 =	sshra.s32 s6, $0x2;
	s6 =	sadd.s32 $0x200, s6  }
0x32: {  	[tilespmem:s5+$0x170] =	vst v0  }
0x33: {  	[tilespmem:s5+$0x100] =	vst v0  }
0x34: {  	[tilespmem:s5+$0x110] =	vst v0  }
0x35: {  	[tilespmem:s5+$0x120] =	vst v0  }
0x36: {  	[tilespmem:s5+$0x130] =	vst v0  }
0x37: {  	[tilespmem:s5+$0x140] =	vst v0  }
0x38: {  	[tilespmem:s5+$0x150] =	vst v0  }
0x39: {  	[tilespmem:s5+$0x160] =	vst v0  }
0x3a: {  	[spmem:s16] =	stream.linear.scatter [tilespmem:s28], [sflag:$0x3], $0x2800, $0x38;
	[tilespmem:$0x18980] =	vst v63  }
0x3b: {  	_ =	swait.ge [sflag:s29], $0x2800  }
0x3c: {  	[sflag:s29] =	ssyncset.done $0x0  }
0x3d: {  	[sflag:s29] =	ssyncadd.s32 $0xFFFFD800  }
0x3e: {  	[spmem:s17] =	stream.linear.scatter [tilespmem:s28], [sflag:$0x3], $0x2800, $0x38;
	[tilespmem:$0x18980] =	vst v63  }
0x3f: {  	_ =	swait.ge [sflag:s29], $0x2800  }
0x40: {  	[sflag:s29] =	ssyncset.done $0x0  }
0x41: {  	[sflag:s29] =	ssyncadd.s32 $0xFFFFD800  }
0x42: {  	[spmem:s18] =	stream.linear.scatter [tilespmem:s28], [sflag:$0x3], $0x2800, $0x38;
	[tilespmem:$0x18980] =	vst v63  }
0x43: {  	_ =	swait.ge [sflag:s29], $0x2800  }
0x44: {  	[sflag:s29] =	ssyncset.done $0x0  }
0x45: {  	[sflag:s29] =	ssyncadd.s32 $0xFFFFD800  }
0x46: {  	[spmem:s19] =	stream.linear.scatter [tilespmem:s28], [sflag:$0x3], $0x2800, $0x38;
	[tilespmem:$0x18980] =	vst v63  }
0x47: {  	_ =	swait.ge [sflag:s29], $0x2800  }
0x48: {  	[sflag:s29] =	ssyncset.done $0x0  }
0x49: {  	[sflag:s29] =	ssyncadd.s32 $0xFFFFD800  }
0x4a: {  	[spmem:s20] =	stream.linear.scatter [tilespmem:s28], [sflag:$0x3], $0x2800, $0x38;
	[tilespmem:$0x18980] =	vst v63  }
0x4b: {  	_ =	swait.ge [sflag:s29], $0x2800  }
0x4c: {  	[sflag:s29] =	ssyncset.done $0x0  }
0x4d: {  	[sflag:s29] =	ssyncadd.s32 $0xFFFFD800  }
0x4e: {  	[spmem:s21] =	stream.linear.scatter [tilespmem:s28], [sflag:$0x3], $0x2800, $0x38;
	[tilespmem:$0x18980] =	vst v63  }
0x4f: {  	_ =	swait.ge [sflag:s29], $0x2800  }
0x50: {  	[sflag:s29] =	ssyncset.done $0x0  }
0x51: {  	[sflag:s29] =	ssyncadd.s32 $0xFFFFD800  }
0x52: {  	[spmem:s22] =	stream.linear.scatter [tilespmem:s28], [sflag:$0x3], $0x2800, $0x38;
	[tilespmem:$0x18980] =	vst v63  }
0x53: {  	_ =	swait.ge [sflag:s29], $0x2800  }
0x54: {  	[sflag:s29] =	ssyncset.done $0x0  }
0x55: {  	s5 =	simm.s32 @!p0 $0x100;
	[sflag:s29] =	ssyncadd.s32 $0xFFFFD800  }
0x56: {  	[spmem:s23] =	stream.linear.scatter @!p0 [tilespmem:s5], [sflag:$0x3], $0x2800, $0x38;
	[tilespmem:$0x18980] =	vst v63  }
0x57: {  	s5 =	simm.s32 @!p0 $0x3  }
0x58: {  	_ =	swait.ge @!p0 [sflag:s5], $0x2800  }
0x59: {  	[sflag:s5] =	ssyncset.done @!p0 $0x0  }
0x5a: {  	[sflag:s5] =	ssyncadd.s32 @!p0 $0xFFFFD800  }
0x5b: {  	s7 =	simm.s32 $0x0;
	[bflag:$0x0] =	sbarrier.arrive $0xFFFF  }
0x5c: {  	[tilespmem:s7], [sflag:$0x3] =	stream.linear.gather [hbm4b:s14+s7], $0x50, $0x38;
	[tilespmem:$0x18980] =	vst v63  }
0x5d: {  	_ =	swait.ge [sflag:s29], $0x50  }
0x5e: {  	[sflag:s29] =	ssyncset.done $0x0  }
0x5f: {  	s6 =	rddreg [dreg:$0xb];
	[sflag:s29] =	ssyncadd.s32 $0xFFFFFFB0  }
0x60: {  	[tilespmem:s28], [sflag:$0x1] =	stream.linear.gather [hbm4b:s6+s7], $0x2800, $0x38;
	[tilespmem:$0x18980] =	vst v63  }
0x61: {  	s9 =	sadd.s32 $0x0, s26  }
0x62: {  	[tilespmem:s30], [sflag:$0x3] =	stream.linear.gather [hbm4b:s9+s12], $0x50, $0x38;
	[tilespmem:$0x18980] =	vst v63  }
0x63: {  	_ =	swait.ge [sflag:s29], $0x50  }
0x64: {  	[sflag:s29] =	ssyncset.done $0x0  }
0x65: {  	s10 =	sadd.s32 $0xFFFFFB00, s24;
	[sflag:s29] =	ssyncadd.s32 $0xFFFFFFB0  }
0x66: {  	[tilespmem:s31], [sflag:$0x2] =	stream.linear.gather [hbm4b:s10+s12], $0x2800, $0x38;
	[tilespmem:$0x18980] =	vst v63  }
0x67: {  	_ =	swait.ge [sflag:s8], $0x2800  }
0x68: {  	[sflag:s8] =	ssyncset.done $0x0  }
0x69: {  	[sflag:s8] =	ssyncadd.s32 $0xFFFFD800  }
0x6a: {  	[spmem:s1] =	stream.indirect.scatter.add.f32 [tilespmem:s28], [sflag:$0x3], $0x80, s12, s0, $0xb8;
	[tilespmem:$0x18980] =	vst v63  }
0x6b: {  	_ =	swait.ge [sflag:s29], $0x2800  }
0x6c: {  	s11 =	sshrl.u32 s25, $0x3;
	[sflag:s29] =	ssyncset.done $0x0  }
0x6d: {  	s5 =	sadd.s32 s13, s11;
	[sflag:s29] =	ssyncadd.s32 $0xFFFFD800  }
0x6e: {  	[tilespmem:s12], [sflag:$0x3] =	stream.linear.gather [hbm4b:s5+s12], $0x50, $0x38;
	[tilespmem:$0x18980] =	vst v63  }
0x6f: {  	_ =	swait.ge [sflag:s29], $0x50  }
0x70: {  	[sflag:s29] =	ssyncset.done $0x0  }
0x71: {  	[sflag:s29] =	ssyncadd.s32 $0xFFFFFFB0  }
0x72: {  	[tilespmem:s28], [sflag:$0x1] =	stream.linear.gather [hbm4b:s24+s12], $0x2800, $0x38;
	[tilespmem:$0x18980] =	vst v63  }
0x73: {  	_ =	swait.ge [sflag:s2], $0x2800  }
0x74: {  	[sflag:s2] =	ssyncset.done $0x0  }
0x75: {  	[sflag:s2] =	ssyncadd.s32 $0xFFFFD800  }
0x76: {  	[spmem:s1] =	stream.indirect.scatter.add.f32 [tilespmem:s31], [sflag:$0x3], $0x80, s30, s0, $0xb8;
	[tilespmem:$0x18980] =	vst v63  }
0x77: {  	s7 =	simm.s32 $0x14;
	s6 =	sadd.s32 $0xA0, s25;
	_ =	swait.ge [sflag:s29], $0x2800  }
0x78: {  	s9 =	simm.s32 $0x28;
	s5 =	sadd.s32 $0xA00, s24;
	[sflag:s29] =	ssyncset.done $0x0  }
.LBB2_4:
0x79: {  	s10 =	sadd.s32 s7, s26  }
0x7a: {  	[sflag:s29] =	ssyncadd.s32 $0xFFFFD800;
	s7 =	smov.u32 s9;
	s11 =	sadd.s32 $0x14, s9  }
0x7b: {  	[tilespmem:s30], [sflag:$0x3] =	stream.linear.gather [hbm4b:s10+s12], $0x50, $0x38;
	[tilespmem:$0x18980] =	vst v63  }
0x7c: {  	p1 =	sne.s32 s9, $0x4C4;
	_ =	swait.ge [sflag:s29], $0x50  }
0x7d: {  	[sflag:s29] =	ssyncset.done $0x0  }
0x7e: {  	s9 =	sadd.s32 $0xFFFFFB00, s5;
	[sflag:s29] =	ssyncadd.s32 $0xFFFFFFB0  }
0x7f: {  	[tilespmem:s31], [sflag:$0x2] =	stream.linear.gather [hbm4b:s9+s12], $0x2800, $0x38;
	[tilespmem:$0x18980] =	vst v63  }
0x80: {  	_ =	swait.ge [sflag:s8], $0x2800  }
0x81: {  	[sflag:s8] =	ssyncset.done $0x0  }
0x82: {  	[sflag:s8] =	ssyncadd.s32 $0xFFFFD800  }
0x83: {  	[spmem:s1] =	stream.indirect.scatter.add.f32 [tilespmem:s28], [sflag:$0x3], $0x80, s12, s0, $0xb8;
	[tilespmem:$0x18980] =	vst v63  }
0x84: {  	_ =	swait.ge [sflag:s29], $0x2800  }
0x85: {  	s9 =	sshrl.u32 s6, $0x3;
	[sflag:s29] =	ssyncset.done $0x0  }
0x86: {  	s9 =	sadd.s32 s13, s9;
	[sflag:s29] =	ssyncadd.s32 $0xFFFFD800  }
0x87: {  	[tilespmem:s12], [sflag:$0x3] =	stream.linear.gather [hbm4b:s9+s12], $0x50, $0x38;
	[tilespmem:$0x18980] =	vst v63  }
0x88: {  	_ =	swait.ge [sflag:s29], $0x50  }
0x89: {  	[sflag:s29] =	ssyncset.done $0x0  }
0x8a: {  	[sflag:s29] =	ssyncadd.s32 $0xFFFFFFB0  }
0x8b: {  	[tilespmem:s28], [sflag:$0x1] =	stream.linear.gather [hbm4b:s5+s12], $0x2800, $0x38;
	[tilespmem:$0x18980] =	vst v63  }
0x8c: {  	_ =	swait.ge [sflag:s2], $0x2800  }
.Ltmp1:
0x8d: {  	[sflag:s2] =	ssyncset.done $0x0;
	(pc) =	sbr.rel @p1 .LBB2_4-.Ltmp1, $4  }
0x8e: {  	[sflag:s2] =	ssyncadd.s32 $0xFFFFD800  }
0x8f: {  	[spmem:s1] =	stream.indirect.scatter.add.f32 [tilespmem:s31], [sflag:$0x3], $0x80, s30, s0, $0xb8;
	[tilespmem:$0x18980] =	vst v63  }
0x90: {  	s6 =	sadd.s32 $0xA0, s6;
	_ =	swait.ge [sflag:s29], $0x2800  }
0x91: {  	s9 =	smov.u32 s11;
	s5 =	sadd.s32 $0xA00, s5;
	[sflag:s29] =	ssyncset.done $0x0  }
0x92: {  	s7 =	sadd.s32 s7, s26;
	[sflag:s29] =	ssyncadd.s32 $0xFFFFD800  }
0x93: {  	[tilespmem:s30], [sflag:$0x3] =	stream.linear.gather [hbm4b:s7+s12], $0x50, $0x38;
	[tilespmem:$0x18980] =	vst v63  }
0x94: {  	_ =	swait.ge [sflag:s29], $0x50  }
0x95: {  	[sflag:s29] =	ssyncset.done $0x0  }
0x96: {  	s9 =	sadd.s32 $0xFFFFFB00, s5;
	[sflag:s29] =	ssyncadd.s32 $0xFFFFFFB0  }
0x97: {  	[tilespmem:s31], [sflag:$0x2] =	stream.linear.gather [hbm4b:s9+s12], $0x2800, $0x38;
	[tilespmem:$0x18980] =	vst v63  }
0x98: {  	_ =	swait.ge [sflag:s8], $0x2800  }
0x99: {  	[sflag:s8] =	ssyncset.done $0x0  }
0x9a: {  	[sflag:s8] =	ssyncadd.s32 $0xFFFFD800  }
0x9b: {  	[spmem:s1] =	stream.indirect.scatter.add.f32 [tilespmem:s28], [sflag:$0x3], $0x80, s12, s0, $0xb8;
	[tilespmem:$0x18980] =	vst v63  }
0x9c: {  	_ =	swait.ge [sflag:s29], $0x2800  }
0x9d: {  	s6 =	sshrl.u32 s6, $0x3;
	[sflag:s29] =	ssyncset.done $0x0  }
0x9e: {  	s6 =	sadd.s32 s13, s6;
	[sflag:s29] =	ssyncadd.s32 $0xFFFFD800  }
0x9f: {  	[tilespmem:s12], [sflag:$0x3] =	stream.linear.gather [hbm4b:s6+s12], $0x50, $0x38;
	[tilespmem:$0x18980] =	vst v63  }
0xa0: {  	_ =	swait.ge [sflag:s29], $0x50  }
0xa1: {  	[sflag:s29] =	ssyncset.done $0x0  }
0xa2: {  	[sflag:s29] =	ssyncadd.s32 $0xFFFFFFB0  }
0xa3: {  	[tilespmem:s28], [sflag:$0x1] =	stream.linear.gather [hbm4b:s5+s12], $0x2800, $0x38;
	[tilespmem:$0x18980] =	vst v63  }
0xa4: {  	_ =	swait.ge [sflag:s2], $0x2800  }
0xa5: {  	[sflag:s2] =	ssyncset.done $0x0  }
0xa6: {  	[sflag:s2] =	ssyncadd.s32 $0xFFFFD800  }
0xa7: {  	[spmem:s1] =	stream.indirect.scatter.add.f32 [tilespmem:s31], [sflag:$0x3], $0x80, s30, s0, $0xb8;
	[tilespmem:$0x18980] =	vst v63  }
0xa8: {  	_ =	swait.ge [sflag:s29], $0x2800  }
0xa9: {  	[sflag:s29] =	ssyncset.done $0x0  }
0xaa: {  	[sflag:s29] =	ssyncadd.s32 $0xFFFFD800  }
0xab: {  	_ =	swait.ge [sflag:s8], $0x2800  }
0xac: {  	[sflag:s8] =	ssyncset.done $0x0  }
0xad: {  	[sflag:s8] =	ssyncadd.s32 $0xFFFFD800  }
0xae: {  	[spmem:s1] =	stream.indirect.scatter.add.f32 [tilespmem:s28], [sflag:$0x3], $0x80, s12, s0, $0xb8;
	[tilespmem:$0x18980] =	vst v63  }
0xaf: {  	_ =	swait.ge [sflag:s29], $0x2800  }
0xb0: {  	[sflag:s29] =	ssyncset.done $0x0  }
0xb1: {  	[sflag:s29] =	ssyncadd.s32 $0xFFFFD800  }
0xb2: {  	[bflag:$0x0] =	sbarrier.arrive $0xFFFF  }
0xb3: {  	[tilespmem:s28], [sflag:$0x4] =	stream.linear.gather [spmem:s16], $0x2800, $0x38;
	[tilespmem:$0x18980] =	vst v63  }
0xb4: {  	_ =	swait.ge [sflag:s3], $0x2800  }
0xb5: {  	[sflag:s3] =	ssyncset.done $0x0  }
0xb6: {  	s10 =	rddreg [dreg:$0x3];
	[sflag:s3] =	ssyncadd.s32 $0xFFFFD800  }
0xb7: {  	[hbm4b:s10+s12] =	stream.linear.scatter [tilespmem:s28], [sflag:$0x3], $0x2800, $0x38;
	[tilespmem:$0x18980] =	vst v63  }
0xb8: {  	_ =	swait.ge [sflag:s29], $0x2800  }
0xb9: {  	[sflag:s29] =	ssyncset.done $0x0  }
0xba: {  	[sflag:s29] =	ssyncadd.s32 $0xFFFFD800  }
0xbb: {  	[tilespmem:s28], [sflag:$0x4] =	stream.linear.gather [spmem:s17], $0x2800, $0x38;
	[tilespmem:$0x18980] =	vst v63  }
0xbc: {  	_ =	swait.ge [sflag:s3], $0x2800  }
0xbd: {  	[sflag:s3] =	ssyncset.done $0x0  }
0xbe: {  	s11 =	rddreg [dreg:$0x4];
	[sflag:s3] =	ssyncadd.s32 $0xFFFFD800  }
0xbf: {  	[hbm4b:s11+s12] =	stream.linear.scatter [tilespmem:s28], [sflag:$0x3], $0x2800, $0x38;
	[tilespmem:$0x18980] =	vst v63  }
0xc0: {  	_ =	swait.ge [sflag:s29], $0x2800  }
0xc1: {  	[sflag:s29] =	ssyncset.done $0x0  }
0xc2: {  	[sflag:s29] =	ssyncadd.s32 $0xFFFFD800  }
0xc3: {  	[tilespmem:s28], [sflag:$0x4] =	stream.linear.gather [spmem:s18], $0x2800, $0x38;
	[tilespmem:$0x18980] =	vst v63  }
0xc4: {  	_ =	swait.ge [sflag:s3], $0x2800  }
0xc5: {  	[sflag:s3] =	ssyncset.done $0x0  }
0xc6: {  	s6 =	rddreg [dreg:$0x5];
	[sflag:s3] =	ssyncadd.s32 $0xFFFFD800  }
0xc7: {  	[hbm4b:s6+s12] =	stream.linear.scatter [tilespmem:s28], [sflag:$0x3], $0x2800, $0x38;
	[tilespmem:$0x18980] =	vst v63  }
0xc8: {  	_ =	swait.ge [sflag:s29], $0x2800  }
0xc9: {  	[sflag:s29] =	ssyncset.done $0x0  }
0xca: {  	[sflag:s29] =	ssyncadd.s32 $0xFFFFD800  }
0xcb: {  	[tilespmem:s28], [sflag:$0x4] =	stream.linear.gather [spmem:s19], $0x2800, $0x38;
	[tilespmem:$0x18980] =	vst v63  }
0xcc: {  	_ =	swait.ge [sflag:s3], $0x2800  }
0xcd: {  	[sflag:s3] =	ssyncset.done $0x0  }
0xce: {  	s7 =	rddreg [dreg:$0x6];
	[sflag:s3] =	ssyncadd.s32 $0xFFFFD800  }
0xcf: {  	[hbm4b:s7+s12] =	stream.linear.scatter [tilespmem:s28], [sflag:$0x3], $0x2800, $0x38;
	[tilespmem:$0x18980] =	vst v63  }
0xd0: {  	_ =	swait.ge [sflag:s29], $0x2800  }
0xd1: {  	[sflag:s29] =	ssyncset.done $0x0  }
0xd2: {  	[sflag:s29] =	ssyncadd.s32 $0xFFFFD800  }
0xd3: {  	[tilespmem:s28], [sflag:$0x4] =	stream.linear.gather [spmem:s20], $0x2800, $0x38;
	[tilespmem:$0x18980] =	vst v63  }
0xd4: {  	_ =	swait.ge [sflag:s3], $0x2800  }
0xd5: {  	[sflag:s3] =	ssyncset.done $0x0  }
0xd6: {  	s9 =	rddreg [dreg:$0x7];
	[sflag:s3] =	ssyncadd.s32 $0xFFFFD800  }
0xd7: {  	[hbm4b:s9+s12] =	stream.linear.scatter [tilespmem:s28], [sflag:$0x3], $0x2800, $0x38;
	[tilespmem:$0x18980] =	vst v63  }
0xd8: {  	_ =	swait.ge [sflag:s29], $0x2800  }
0xd9: {  	[sflag:s29] =	ssyncset.done $0x0  }
0xda: {  	[sflag:s29] =	ssyncadd.s32 $0xFFFFD800  }
0xdb: {  	[tilespmem:s28], [sflag:$0x4] =	stream.linear.gather [spmem:s21], $0x2800, $0x38;
	[tilespmem:$0x18980] =	vst v63  }
0xdc: {  	_ =	swait.ge [sflag:s3], $0x2800  }
0xdd: {  	[sflag:s3] =	ssyncset.done $0x0  }
0xde: {  	s10 =	rddreg [dreg:$0x8];
	[sflag:s3] =	ssyncadd.s32 $0xFFFFD800  }
0xdf: {  	[hbm4b:s10+s12] =	stream.linear.scatter [tilespmem:s28], [sflag:$0x3], $0x2800, $0x38;
	[tilespmem:$0x18980] =	vst v63  }
0xe0: {  	_ =	swait.ge [sflag:s29], $0x2800  }
0xe1: {  	[sflag:s29] =	ssyncset.done $0x0  }
0xe2: {  	[sflag:s29] =	ssyncadd.s32 $0xFFFFD800  }
0xe3: {  	[tilespmem:s28], [sflag:$0x4] =	stream.linear.gather [spmem:s22], $0x2800, $0x38;
	[tilespmem:$0x18980] =	vst v63  }
0xe4: {  	_ =	swait.ge [sflag:s3], $0x2800  }
0xe5: {  	[sflag:s3] =	ssyncset.done $0x0  }
0xe6: {  	s11 =	rddreg [dreg:$0x9];
	[sflag:s3] =	ssyncadd.s32 $0xFFFFD800  }
0xe7: {  	[hbm4b:s11+s12] =	stream.linear.scatter [tilespmem:s28], [sflag:$0x3], $0x2800, $0x38;
	[tilespmem:$0x18980] =	vst v63  }
0xe8: {  	_ =	swait.ge [sflag:s29], $0x2800  }
0xe9: {  	[sflag:s29] =	ssyncset.done $0x0  }
0xea: {  	s5 =	simm.s32 @!p0 $0x100;
	s6 =	simm.s32 @!p0 $0x4;
	[sflag:s29] =	ssyncadd.s32 $0xFFFFD800  }
0xeb: {  	[tilespmem:s5], [sflag:$0x4] =	stream.linear.gather @!p0 [spmem:s23], $0x2800, $0x38;
	[tilespmem:$0x18980] =	vst v63  }
0xec: {  	s4 =	sadd.s32 $0x1, s4;
	_ =	swait.ge @!p0 [sflag:s6], $0x2800  }
0xed: {  	p1 =	sne.s32 s4, s15;
	[sflag:s6] =	ssyncset.done @!p0 $0x0  }
0xee: {  	s7 =	rddreg [dreg:$0xa];
	[sflag:s6] =	ssyncadd.s32 @!p0 $0xFFFFD800;
	s6 =	simm.s32 @!p0 $0x0  }
0xef: {  	[hbm4b:s7+s6] =	stream.linear.scatter @!p0 [tilespmem:s5], [sflag:$0x3], $0x2800, $0x38;
	[tilespmem:$0x18980] =	vst v63  }
.Ltmp2:
0xf0: {  	_ = 	snop;
	(pc) =	sbr.rel @p1 .LBB2_1-.Ltmp2, $4  }
0xf1: {  	s5 =	simm.s32 @!p0 $0x3  }
0xf2: {  	_ =	swait.ge @!p0 [sflag:s5], $0x2800  }
0xf3: {  	[sflag:s5] =	ssyncset.done @!p0 $0x0  }
0xf4: {  	[sflag:s5] =	ssyncadd.s32 @!p0 $0xFFFFD800  }
0xf5: {  	_ =	sfence.sel $0x180000  }
0xf6: {  	[bflag:$0x0] =	sbarrier.arrive $0xFFFF  }
0xf7: {  	_ =	strace $0x9000004A  }
0xf8: {  	s0 =	stileid.u32;
	[bflag:$0x2] =	sbarrier.arrive $0xFFFF  }
0xf9: {  	p0 =	sne.s32 s0, $0x0;
	s0 =	rddreg [dreg:$0x2]  }
0xfa: {  	s0 =	sadd.s32 @!p0 $0x100000, s0  }
0xfb: {  	[sflag:s0] =	ssyncadd.tile.s32 @!p0 $0x1;
	_ =	shalt  }
.Lfunc_end2:
_tile_overlayer_lowered:
.L_overlay_start_2:
0xfc: {  	(tag) =	ssettag $0x2  }
0xfd: {  	s0 =	rddreg [dreg:$0x0];
	s2 =	stileid.u32  }
0xfe: {  	s1 =	rddreg [dreg:$0x1];
	p0 =	sne.s32 s2, $0x0  }
0xff: {  	s3 =	rddreg [dreg:$0x2];
	[bflag:$0x3] =	sbarrier.arrive $0xFFFF;
	s2 =	simm.s32 @!p0 $0x1C03  }
0x100: {  	[timem:s3], [sflag:s2] =	dma.local @!p0 [hbm:s0], s1  }
0x101: {  	s0 =	simm.s32 @!p0 $0x3  }
0x102: {  	_ =	swait.ge @!p0 [sflag:s0], s1  }
0x103: {  	s1 =	ssub.s32 @!p0 $0x0, s1;
	[sflag:s0] =	ssyncset.done @!p0 $0x0  }
0x104: {  	[sflag:s0] =	ssyncadd.s32 @!p0 s1  }
0x105: {  	[bflag:$0x3] =	sbarrier.arrive $0xFFFF  }
0x106: {  	_ =	shalt  }

// kernel: kernel.7.cloned.1.call-start
scs
__scs_entry_jumppad:
0x0: {  	(pc) =	sbr.rel $0x88, $3  }
0x1: {  	(tag) =	ssettag $0x0;
	lr =	simm.s32 $0x1  }
0x2: {  	[smem:$0x3F98] =	sst lr;
	_ =	strace $0xD0000000  }
0x3: {  	_ = 	snop  }
0x4: {  	_ = 	snop  }
0x5: {  	_ = 	snop  }
0x6: {  	_ = 	snop  }
0x7: {  	_ = 	snop  }
__scs_overlays_trampoline_lowered:
0x8: {  	[smem:$0x3FA7] =	sst s0  }
0x9: {  	[smem:$0x3FA8] =	sst s1  }
0xa: {  	[smem:$0x3FA9] =	sst s2  }
0xb: {  	[smem:$0x3FAA] =	sst s3  }
0xc: {  	[smem:$0x3FAB] =	sst s4  }
0xd: {  	[smem:$0x3FAC] =	sst s5  }
0xe: {  	[smem:$0x3FAD] =	sst s6  }
0xf: {  	[smem:$0x3FAE] =	sst s7  }
0x10: {  	[smem:$0x3FAF] =	sst s8  }
0x11: {  	[smem:$0x3FB0] =	sst s9;
	s0 =	simm.s32 @!p0 $0x0  }
0x12: {  	s1 =	sld [smem:$0x3F96];
	s0 =	simm.s32 @p0 $0x1  }
0x13: {  	[smem:$0x3FB1] =	sst s0;
	s0 =	simm.s32 @!p1 $0x0  }
0x14: {  	s2 =	sld [smem:$0x3F95];
	s0 =	simm.s32 @p1 $0x1  }
0x15: {  	[smem:$0x3FB2] =	sst s0;
	s0 =	simm.s32 @!p2 $0x0  }
0x16: {  	s3 =	sld [smem:$0x3FDB];
	s0 =	simm.s32 @p2 $0x1  }
0x17: {  	s4 =	simm.s32 $0x1BF5;
	[smem:$0x3FB4] =	sst s0  }
0x18: {  	s0 =	sld [smem:$0x3F97];
	_ =	swait.ge [sflag:s4], $0x0  }
0x19: {  	s7 =	sld [smem:$0x3F98]  }
0x1a: {  	s8 =	sadd.s32 $0xFFFFE003, lr  }
0x1b: {  	s9 =	sadd.s32 $0xFFFFFEF7, lr;
	s5 =	simm.s32 $0xFFFFFFFF;
	p2 =	slt.u32 s8, $0xFFFFF086  }
0x1c: {  	p1 =	slt.u32 s9, $0xF7A;
	s5 =	simm.s32 @!p2 $0x0  }
0x1d: {  	s5 =	simm.s32 @p1 $0x1;
	p0 =	seq.s32 s7, s2  }
0x1e: {  	s7 =	smul.u32 @!p0 $0xF7A, s2;
	p2 =	seq.s32 @!p0 s5, $0x0  }
0x1f: {  	s9 =	smul.u32 $0xF7A, s1;
	s8 =	simm.s32 @!p0 $0x1BF5;
	p2 =	por !p2, p0  }
0x20: {  	[sflag:s8] =	ssyncset.s32 @!p0 $0xFFFFF086;
	s6 =	sadd.s32 @!p0 s3, s7;
	s7 =	simm.s32 @!p0 $0x108  }
0x21: {  	s3 =	sadd.s32 s3, s9;
	s6 =	sadd.s32 @!p0 $0x88, s6;
	s7 =	simm.s32 @p2 $0x1082  }
0x22: {  	[simem:s7], [sflag:s8] =	dma.local @!p0 [hbm:s6], $0xF7A  }
0x23: {  	s9 =	sor.u32 $0xD0000000, s2;
	s6 =	simm.s32 $0x108;
	_ =	swait.ge @!p0 [sflag:s8], $0x0  }
0x24: {  	s3 =	sadd.s32 $0x88, s3;
	s6 =	simm.s32 @!p1 $0x1082;
	[sflag:s4] =	ssyncset.s32 $0xFFFFF086  }
0x25: {  	[simem:s6], [sflag:s4] =	dma.local [hbm:s3], $0xF7A  }
0x26: {  	[smem:$0x3F98] =	sst s1;
	(tag) =	ssettag s2;
	_ =	strace s9  }
0x27: {  	s1 =	sld [smem:$0x3FA8]  }
0x28: {  	s2 =	sld [smem:$0x3FA9]  }
0x29: {  	s4 =	sld [smem:$0x3FAB]  }
0x2a: {  	p0 =	seq.s32 s5, $0x0;
	s5 =	sld [smem:$0x3FAC]  }
0x2b: {  	s6 =	sld [smem:$0x3FAD]  }
0x2c: {  	s7 =	sld [smem:$0x3FAE]  }
0x2d: {  	s3 =	simm.s32 $0x108;
	s8 =	sld [smem:$0x3FAF]  }
0x2e: {  	s3 =	simm.s32 @!p0 $0x1082;
	s9 =	sld [smem:$0x3FB0]  }
0x2f: {  	lr =	sadd.s32 s0, s3;
	s0 =	sld [smem:$0x3FA7]  }
0x30: {  	s3 =	sld [smem:$0x3FAA]  }
0x31: {  	[smem:$0x3FB3] =	sst s10  }
0x32: {  	s10 =	sld [smem:$0x3FB1];
	_ =	sdelay $0x3  }
0x33: {  	p0 =	seq.s32 s10, $0x1;
	s10 =	sld [smem:$0x3FB3];
	_ =	sdelay $0x3  }
0x34: {  	[smem:$0x3FB3] =	sst s10  }
0x35: {  	s10 =	sld [smem:$0x3FB2];
	_ =	sdelay $0x3  }
0x36: {  	p1 =	seq.s32 s10, $0x1;
	s10 =	sld [smem:$0x3FB3];
	_ =	sdelay $0x3  }
0x37: {  	[smem:$0x3FB3] =	sst s10  }
0x38: {  	s10 =	sld [smem:$0x3FB4]  }
0x39: {  	_ = 	snop;
	(pc) =	sbr.ind lr, $3  }
0x3a: {  	_ = 	snop  }
0x3b: {  	_ = 	snop  }
0x3c: {  	p2 =	seq.s32 s10, $0x1;
	s10 =	sld [smem:$0x3FB3]  }
0x3d: {  	_ =	shalt  }
0x3e: {  	_ =	shalt  }
0x3f: {  	_ =	shalt  }
0x40: {  	_ =	shalt  }
0x41: {  	_ =	shalt  }
0x42: {  	_ =	shalt  }
0x43: {  	_ =	shalt  }
0x44: {  	_ =	shalt  }
0x45: {  	_ =	shalt  }
0x46: {  	_ =	shalt  }
0x47: {  	_ =	shalt  }
0x48: {  	_ =	shalt  }
0x49: {  	_ =	shalt  }
0x4a: {  	_ =	shalt  }
0x4b: {  	_ =	shalt  }
0x4c: {  	_ =	shalt  }
0x4d: {  	_ =	shalt  }
0x4e: {  	_ =	shalt  }
0x4f: {  	_ =	shalt  }
0x50: {  	_ =	shalt  }
0x51: {  	_ =	shalt  }
0x52: {  	_ =	shalt  }
0x53: {  	_ =	shalt  }
0x54: {  	_ =	shalt  }
0x55: {  	_ =	shalt  }
0x56: {  	_ =	shalt  }
0x57: {  	_ =	shalt  }
0x58: {  	_ =	shalt  }
0x59: {  	_ =	shalt  }
0x5a: {  	_ =	shalt  }
0x5b: {  	_ =	shalt  }
0x5c: {  	_ =	shalt  }
0x5d: {  	_ =	shalt  }
0x5e: {  	_ =	shalt  }
0x5f: {  	_ =	shalt  }
0x60: {  	_ =	shalt  }
0x61: {  	_ =	shalt  }
0x62: {  	_ =	shalt  }
0x63: {  	_ =	shalt  }
0x64: {  	_ =	shalt  }
0x65: {  	_ =	shalt  }
0x66: {  	_ =	shalt  }
0x67: {  	_ =	shalt  }
0x68: {  	_ =	shalt  }
0x69: {  	_ =	shalt  }
0x6a: {  	_ =	shalt  }
0x6b: {  	_ =	shalt  }
0x6c: {  	_ =	shalt  }
0x6d: {  	_ =	shalt  }
0x6e: {  	_ =	shalt  }
0x6f: {  	_ =	shalt  }
0x70: {  	_ =	shalt  }
0x71: {  	_ =	shalt  }
0x72: {  	_ =	shalt  }
0x73: {  	_ =	shalt  }
0x74: {  	_ =	shalt  }
0x75: {  	_ =	shalt  }
0x76: {  	_ =	shalt  }
0x77: {  	_ =	shalt  }
0x78: {  	_ =	shalt  }
0x79: {  	_ =	shalt  }
0x7a: {  	_ =	shalt  }
0x7b: {  	_ =	shalt  }
0x7c: {  	_ =	shalt  }
0x7d: {  	_ =	shalt  }
0x7e: {  	_ =	shalt  }
0x7f: {  	_ =	shalt  }
0x80: {  	_ =	shalt  }
0x81: {  	_ =	shalt  }
0x82: {  	_ =	shalt  }
0x83: {  	_ =	shalt  }
0x84: {  	_ =	shalt  }
0x85: {  	_ =	shalt  }
0x86: {  	_ =	shalt  }
0x87: {  	_ =	shalt  }
.Lfunc_end0:
.L_simem_size_0:
called_computation_lowered:
.L_overlay_start_0:
0x88: {  	s2 =	sld [smem:$0x3FD9]  }
0x89: {  	s3 =	sld [smem:$0x3FFE];
	_ =	sdelay $0x1  }
0x8a: {  	s1 =	srdreg.scid  }
0x8b: {  	s0 =	sand.u32 $0x1, s1  }
0x8c: {  	s17 =	sshll.u32 s0, $0xA;
	s2 =	sadd.s32 s3, s2  }
0x8d: {  	s2 =	sadd.s32 s2, s17  }
0x8e: {  	[smem:$0x3FBF] =	sst s2  }
0x8f: {  	_ = 	snop  }
0x90: {  	s2 =	sld [smem:$0x3FD0];
	(tm) =	ssettm $0x1  }
0x91: {  	s18 =	sld [smem:$0x3FFB];
	_ =	sdelay $0x3  }
0x92: {  	_ =	strace s18  }
0x93: {  	s3 =	sld [smem:$0x3FFC];
	_ =	sdelay $0x3  }
0x94: {  	_ =	strace s3  }
0x95: {  	s3 =	sld [smem:$0x3FFD];
	_ =	sdelay $0x3  }
0x96: {  	_ =	strace s3  }
0x97: {  	_ =	strace $0x8FFFFFFF  }
0x98: {  	s19 =	sld [smem:$0x3FDB];
	_ =	sdelay $0x1  }
0x99: {  	s4 =	simm.s32 $_scs_section_size  }
0x9a: {  	s5 =	simm.s32 $_size__tile_overlayer_lowered;
	s6 =	simm.s32 $_tile_overlayer_lowered  }
0x9b: {  	s22 =	simm.s32 $0x1BFF;
	s21 =	sshll.u32 s6, $0x1;
	s3 =	sadd.s32 s4, s19  }
0x9c: {  	s7 =	simm.s32 $0x0;
	s20 =	sshll.u32 s5, $0x1;
	s5 =	sadd.s32 s21, s3  }
0x9d: {  	[timem:s7], [sflag:s22] =	dma.local [hbm:s5], s20  }
0x9e: {  	_ =	swait.ge [sflag:s22], s20  }
0x9f: {  	s4 =	ssub.s32 $0x0, s20;
	[sflag:s22] =	ssyncset.done $0x0  }
0xa0: {  	[sflag:s22] =	ssyncadd.s32 s4;
	_ =	sdelay $0x1  }
0xa1: {  	s23 =	simm.s32 $0x1B8B  }
0xa2: {  	_ =	swait.ge [sflag:s23], $0x1  }
0xa3: {  	[sflag:s23] =	ssyncset.done $0x0  }
0xa4: {  	s25 =	simm.s32 $0x1B8E;
	s24 =	sld [smem:$0x3FFE];
	[sflag:s23] =	ssyncadd.s32 $0xFFFFFFFF  }
0xa5: {  	s26 =	simm.s32 $execute0_lowered;
	[smem:$0x3FD2] =	sst s25  }
0xa6: {  	s5 =	sshll.u32 s26, $0x1;
	_ =	strace $0x80000046;
	[dreg:$0x1] =	wrdreg $0xFFFFFFFF  }
0xa7: {  	s28 =	simm.s32 $_size_execute0_lowered;
	s3 =	sadd.s32 s3, s5;
	[dreg:$0x0] =	wrdreg $0x0  }
0xa8: {  	s5 =	sshll.u32 s28, $0x1;
	[dreg:$0x2] =	wrdreg s3  }
0xa9: {  	[dreg:$0x3] =	wrdreg s5  }
0xaa: {  	[dreg:$0x4] =	wrdreg $0xC0  }
0xab: {  	_ =	task [dreg:s7], $0x5FFFF  }
0xac: {  	[dreg:$0x1] =	wrdreg $0xFFFFFFFF  }
0xad: {  	[dreg:$0x0] =	wrdreg $0x60  }
0xae: {  	[dreg:$0x2] =	wrdreg s2  }
0xaf: {  	[dreg:$0x3] =	wrdreg s24  }
0xb0: {  	[dreg:$0x4] =	wrdreg $0x9  }
0xb1: {  	_ =	task.clear_ibuf [dreg:s7], $0x5FFFF;
	_ =	strace $0x90000046  }
0xb2: {  	s29 =	simm.s32 $0x9;
	_ =	strace $0x80000048  }
0xb3: {  	_ =	swait.ge [sflag:s29], $0x1  }
0xb4: {  	[sflag:s29] =	ssyncadd.s32 $0xFFFFFFFF  }
0xb5: {  	_ =	strace $0x90000048  }
0xb6: {  	_ =	sfence  }
0xb7: {  	s30 =	sld [smem:$0x0];
	_ =	sdelay $0x2  }
0xb8: {  	s31 =	sshll.u32 s1, $0xD;
	s1 =	sshrl.u32 s1, $0x2  }
0xb9: {  	s3 =	sand.u32 $0x4000, s31;
	s1 =	sadd.s32 s1, s30  }
0xba: {  	s0 =	sor.u32 s3, s0;
	s1 =	sshll.u32 s1, $0x11  }
0xbb: {  	s0 =	sor.u32 s1, s0  }
0xbc: {  	s0 =	sadd.s32 $0x8F2B, s0  }
0xbd: {  	[sflag:s0] =	ssyncadd.remote.s32 $0x1  }
0xbe: {  	_ =	sfence.sel $0xFFFF  }
0xbf: {  	[dreg:$0x0] =	wrdreg $0xFFFFFFFF;
	(pc) =	sbr.abs _section_cstart, $3  }
0xc0: {  	[dreg:$0x1] =	wrdreg $0xFFFFFFFF  }
0xc1: {  	_ =	task.clear_ibuf [dreg:s7], $0x2FFFF;
	_ =	strace $0x9FFFFFFF  }
0xc2: {  	(tm) =	ssettm $0x7FFFFFFF  }
0xc3: {  	_ =	shalt  }
tec
execute0_lowered:
.L_overlay_start_1:
0x0: {  	(tag) =	ssettag $0x1  }
0x1: {  	s1 =	rddreg [dreg:$0x0]  }
0x2: {  	s0 =	rddreg [dreg:$0x1];
	s2 =	srdreg.scid;
	s3 =	simm.s32 $0x0  }
0x3: {  	s13 =	stileid.u32;
	s15 =	simm.s32 $0x9;
	s16 =	simm.s32 $0x100  }
0x4: {  	s17 =	simm.s32 $0x50;
	s18 =	simm.s32 $0x200;
	s28 =	simm.s32 $0x7  }
0x5: {  	s29 =	simm.s32 $0x2;
	s30 =	simm.s32 $0x4;
	s2 =	sand.u32 $0x1, s2  }
0x6: {  	[smem:$0x7FF] =	sst s3;
	s4 =	sadd.s32 $0x17600, s0;
	s20 =	smul.u32 $0x2710, s13  }
0x7: {  	s6 =	sadd.s32 $0x3A00, s0;
	s11 =	sadd.s32 $0x3E800, s0;
	s23 =	smul.u32 $0x27100, s13  }
0x8: {  	s5 =	sshll.u32 s2, $0x4;
	_ =	strace $0x80000047;
	s19 =	smul.u32 $0x27100, s2  }
0x9: {  	s8 =	ssub.s32 $0x2, s2;
	s2 =	smul.u32 $0x271000, s2;
	s7 =	sor.u32 s13, s5  }
0xa: {  	s5 =	sadd.s32 $0xD800, s0;
	s10 =	sshrl.u32 s8, $0x1;
	s9 =	smul.u32 $0x2710, s7  }
0xb: {  	s0 =	sadd.s32 $0x520800, s0;
	s7 =	smul.u32 $0x138800, s7;
	s8 =	ssub.s32 s8, s10  }
0xc: {  	s22 =	sadd.s32 s20, s19;
	s25 =	sadd.s32 s2, s11;
	s19 =	simm.s32 $0x5200  }
0xd: {  	s20 =	simm.s32 $0x80;
	s8 =	smax.u32 s8, $0x1;
	s24 =	sadd.s32 $0xA0, s22  }
0xe: {  	s10 =	sadd.s32 s23, s25;
	s26 =	sadd.s32 $0x50, s22;
	[dreg:$0x9] =	wrdreg s8  }
0xf: {  	s22 =	simm.s32 $0x2A00;
	s9 =	sshrl.u32 s9, $0x3;
	[dreg:$0xa] =	wrdreg s24  }
0x10: {  	s25 =	simm.s32 $0x3;
	[dreg:$0x3] =	wrdreg s10;
	s12 =	sadd.s32 s5, s9  }
0x11: {  	s7 =	sshrl.u32 s7, $0x3;
	s9 =	sadd.s32 s6, s9;
	[dreg:$0x5] =	wrdreg s12  }
0x12: {  	s24 =	simm.s32 $0x1;
	s7 =	sadd.s32 $0x26C00, s7;
	[dreg:$0x6] =	wrdreg s9  }
0x13: {  	s21 =	sadd.s32 s11, s7;
	s7 =	sadd.s32 s0, s7;
	s0 =	sadd.s32 s2, s0  }
0x14: {  	s2 =	sshrl.u32 s26, $0x3;
	s26 =	simm.s32 $0x5;
	[dreg:$0x7] =	wrdreg s21  }
0x15: {  	[dreg:$0x8] =	wrdreg s7;
	s0 =	sadd.s32 s23, s0;
	s31 =	sadd.s32 s2, s6  }
0x16: {  	s14 =	sadd.s32 s2, s5;
	s21 =	simm.s32 $0x180;
	[dreg:$0x4] =	wrdreg s0  }
0x17: {  	s23 =	simm.s32 $0x7A00;
	s2 =	simm.s32 $0x0;
	[dreg:$0xb] =	wrdreg s31  }
.LBB2_1:
0x18: {  	s0 =	rddreg [dreg:$0x5]  }
0x19: {  	[tilespmem:s3], [sflag:$0x9] =	stream.linear.gather [hbm4b:s0+s3], $0x50, $0x38;
	[tilespmem:$0xA200] =	vst v63  }
0x1a: {  	_ =	swait.ge [sflag:s15], $0x50  }
0x1b: {  	[sflag:s15] =	ssyncset.done $0x0  }
0x1c: {  	s11 =	rddreg [dreg:$0x6];
	[sflag:s15] =	ssyncadd.s32 $0xFFFFFFB0  }
0x1d: {  	[tilespmem:s16], [sflag:$0x9] =	stream.linear.gather [hbm4b:s11+s3], $0x50, $0x38;
	[tilespmem:$0xA200] =	vst v63  }
0x1e: {  	_ =	swait.ge [sflag:s15], $0x50  }
0x1f: {  	[sflag:s15] =	ssyncset.done $0x0  }
0x20: {  	p0 =	por $0x1, $0x1;
	[sflag:s15] =	ssyncadd.s32 $0xFFFFFFB0  }
0x21: {  	[tilespmem:s18], [sflag:$0x1] =	stream.indirect.gather [hbm4b:s1+s17], $0x80, s3, s17, $0xb8;
	[tilespmem:$0xA200] =	vst v63  }
0x22: {  	s7 =	simm.s32 @!p0 $0x6  }
0x23: {  	[tilespmem:s19], [sflag:$0x3] =	stream.indirect.gather [hbm4b:s4+s17], $0x80, s16, s17, $0xb8;
	[tilespmem:$0xA200] =	vst v63  }
0x24: {  	_ =	swait.ge @!p0 [sflag:s7], $0x2800  }
0x25: {  	[sflag:s7] =	ssyncset.done @!p0 $0x0  }
0x26: {  	[sflag:s7] =	ssyncadd.s32 @!p0 $0xFFFFD800;
	s7 =	simm.s32 @!p0 $0x8  }
0x27: {  	_ =	swait.ge @!p0 [sflag:s7], $0x2800  }
0x28: {  	[sflag:s7] =	ssyncset.done @!p0 $0x0  }
0x29: {  	[sflag:s7] =	ssyncadd.s32 @!p0 $0xFFFFD800  }
0x2a: {  	[tilespmem:s20], [sflag:$0x9] =	stream.linear.gather [hbm4b:s14+s3], $0x50, $0x38;
	[tilespmem:$0xA200] =	vst v63  }
0x2b: {  	_ =	swait.ge [sflag:s15], $0x50  }
0x2c: {  	[sflag:s15] =	ssyncset.done $0x0  }
0x2d: {  	s8 =	rddreg [dreg:$0xb];
	[sflag:s15] =	ssyncadd.s32 $0xFFFFFFB0  }
0x2e: {  	[tilespmem:s21], [sflag:$0x9] =	stream.linear.gather [hbm4b:s8+s3], $0x50, $0x38;
	[tilespmem:$0xA200] =	vst v63  }
0x2f: {  	_ =	swait.ge [sflag:s15], $0x50  }
0x30: {  	[sflag:s15] =	ssyncset.done $0x0  }
0x31: {  	[sflag:s15] =	ssyncadd.s32 $0xFFFFFFB0  }
0x32: {  	[tilespmem:s22], [sflag:$0x2] =	stream.indirect.gather [hbm4b:s1+s17], $0x80, s20, s17, $0xb8;
	[tilespmem:$0xA200] =	vst v63  }
0x33: {  	_ = 	snop  }
0x34: {  	[tilespmem:s23], [sflag:$0x4] =	stream.indirect.gather [hbm4b:s4+s17], $0x80, s21, s17, $0xb8;
	[tilespmem:$0xA200] =	vst v63  }
0x35: {  	_ =	swait.ge [sflag:s24], $0x2800  }
0x36: {  	[sflag:s24] =	ssyncset.done $0x0  }
0x37: {  	[sflag:s24] =	ssyncadd.s32 $0xFFFFD800  }
0x38: {  	_ =	swait.ge [sflag:s25], $0x2800  }
0x39: {  	s12 =	rddreg [dreg:$0x3];
	[sflag:s25] =	ssyncset.done $0x0  }
0x3a: {  	s9 =	rddreg [dreg:$0x4];
	[sflag:s25] =	ssyncadd.s32 $0xFFFFD800;
	s7 =	sadd.s32 $0x0, s12  }
0x3b: {  	[hbm4b:s7+s3] =	stream.linear.scatter [tilespmem:s18], [sflag:$0x5], $0x2800, $0x38;
	[tilespmem:$0xA200] =	vst v63  }
0x3c: {  	s12 =	sadd.s32 $0x0, s9  }
0x3d: {  	[hbm4b:s12+s3] =	stream.linear.scatter [tilespmem:s19], [sflag:$0x7], $0x2800, $0x38;
	[tilespmem:$0xA200] =	vst v63  }
0x3e: {  	_ =	swait.ge [sflag:s26], $0x2800  }
0x3f: {  	[sflag:s26] =	ssyncset.done $0x0  }
0x40: {  	[sflag:s26] =	ssyncadd.s32 $0xFFFFD800  }
0x41: {  	_ =	swait.ge [sflag:s28], $0x2800  }
0x42: {  	s0 =	rddreg [dreg:$0xa]  }
0x43: {  	[sflag:s28] =	ssyncset.done $0x0;
	s13 =	sshrl.u32 s0, $0x3  }
0x44: {  	[sflag:s28] =	ssyncadd.s32 $0xFFFFD800;
	s10 =	sadd.s32 s5, s13  }
0x45: {  	[tilespmem:s3], [sflag:$0x9] =	stream.linear.gather [hbm4b:s10+s3], $0x50, $0x38;
	[tilespmem:$0xA200] =	vst v63  }
0x46: {  	_ =	swait.ge [sflag:s15], $0x50  }
0x47: {  	[sflag:s15] =	ssyncset.done $0x0  }
0x48: {  	s9 =	sadd.s32 s6, s13;
	[sflag:s15] =	ssyncadd.s32 $0xFFFFFFB0  }
0x49: {  	[tilespmem:s16], [sflag:$0x9] =	stream.linear.gather [hbm4b:s9+s3], $0x50, $0x38;
	[tilespmem:$0xA200] =	vst v63  }
0x4a: {  	_ =	swait.ge [sflag:s15], $0x50  }
0x4b: {  	[sflag:s15] =	ssyncset.done $0x0  }
0x4c: {  	[sflag:s15] =	ssyncadd.s32 $0xFFFFFFB0  }
0x4d: {  	[tilespmem:s18], [sflag:$0x1] =	stream.indirect.gather [hbm4b:s1+s17], $0x80, s3, s17, $0xb8;
	[tilespmem:$0xA200] =	vst v63  }
0x4e: {  	_ = 	snop  }
0x4f: {  	[tilespmem:s19], [sflag:$0x3] =	stream.indirect.gather [hbm4b:s4+s17], $0x80, s16, s17, $0xb8;
	[tilespmem:$0xA200] =	vst v63  }
0x50: {  	_ =	swait.ge [sflag:s29], $0x2800  }
0x51: {  	[sflag:s29] =	ssyncset.done $0x0  }
0x52: {  	[sflag:s29] =	ssyncadd.s32 $0xFFFFD800  }
0x53: {  	p1 =	por $0x0, $0x0;
	_ =	swait.ge [sflag:s30], $0x2800  }
0x54: {  	s11 =	simm.s32 $0x1400;
	s7 =	sadd.s32 $0x500, s7;
	[sflag:s30] =	ssyncset.done $0x0  }
0x55: {  	s31 =	sadd.s32 $0x500, s12;
	s12 =	smov.u32 s0;
	[sflag:s30] =	ssyncadd.s32 $0xFFFFD800  }
0x56: {  	[hbm4b:s7+s3] =	stream.linear.scatter [tilespmem:s22], [sflag:$0x6], $0x2800, $0x38;
	[tilespmem:$0xA200] =	vst v63  }
0x57: {  	s10 =	sadd.s32 $0x14, s14;
	s9 =	sadd.s32 $0x14, s8;
	s7 =	simm.s32 $0xA00  }
.LBB2_2:
0x58: {  	s0 =	simm.s32 @!p1 $0x6  }
0x59: {  	[hbm4b:s31+s3] =	stream.linear.scatter [tilespmem:s23], [sflag:$0x8], $0x2800, $0x38;
	[tilespmem:$0xA200] =	vst v63  }
0x5a: {  	_ =	swait.ge @!p1 [sflag:s0], $0x2800  }
0x5b: {  	[sflag:s0] =	ssyncset.done @!p1 $0x0  }
0x5c: {  	[sflag:s0] =	ssyncadd.s32 @!p1 $0xFFFFD800;
	s0 =	simm.s32 @!p1 $0x8  }
0x5d: {  	_ =	swait.ge @!p1 [sflag:s0], $0x2800  }
0x5e: {  	[sflag:s0] =	ssyncset.done @!p1 $0x0  }
0x5f: {  	[sflag:s0] =	ssyncadd.s32 @!p1 $0xFFFFD800  }
0x60: {  	[tilespmem:s20], [sflag:$0x9] =	stream.linear.gather [hbm4b:s10+s3], $0x50, $0x38;
	[tilespmem:$0xA200] =	vst v63  }
0x61: {  	_ =	swait.ge [sflag:s15], $0x50  }
0x62: {  	[sflag:s15] =	ssyncset.done $0x0  }
0x63: {  	[sflag:s15] =	ssyncadd.s32 $0xFFFFFFB0  }
0x64: {  	[tilespmem:s21], [sflag:$0x9] =	stream.linear.gather [hbm4b:s9+s3], $0x50, $0x38;
	[tilespmem:$0xA200] =	vst v63  }
0x65: {  	_ =	swait.ge [sflag:s15], $0x50  }
0x66: {  	[sflag:s15] =	ssyncset.done $0x0  }
0x67: {  	[sflag:s15] =	ssyncadd.s32 $0xFFFFFFB0  }
0x68: {  	[tilespmem:s22], [sflag:$0x2] =	stream.indirect.gather [hbm4b:s1+s17], $0x80, s20, s17, $0xb8;
	[tilespmem:$0xA200] =	vst v63  }
0x69: {  	_ = 	snop  }
0x6a: {  	[tilespmem:s23], [sflag:$0x4] =	stream.indirect.gather [hbm4b:s4+s17], $0x80, s21, s17, $0xb8;
	[tilespmem:$0xA200] =	vst v63  }
0x6b: {  	_ =	swait.ge [sflag:s24], $0x2800  }
0x6c: {  	[sflag:s24] =	ssyncset.done $0x0  }
0x6d: {  	[sflag:s24] =	ssyncadd.s32 $0xFFFFD800  }
0x6e: {  	_ =	swait.ge [sflag:s25], $0x2800  }
0x6f: {  	s13 =	rddreg [dreg:$0x3];
	[sflag:s25] =	ssyncset.done $0x0  }
0x70: {  	s31 =	rddreg [dreg:$0x4];
	[sflag:s25] =	ssyncadd.s32 $0xFFFFD800;
	s0 =	sadd.s32 s7, s13  }
0x71: {  	[hbm4b:s0+s3] =	stream.linear.scatter [tilespmem:s18], [sflag:$0x5], $0x2800, $0x38;
	[tilespmem:$0xA200] =	vst v63  }
0x72: {  	s31 =	sadd.s32 s7, s31  }
0x73: {  	[hbm4b:s31+s3] =	stream.linear.scatter [tilespmem:s19], [sflag:$0x7], $0x2800, $0x38;
	[tilespmem:$0xA200] =	vst v63  }
0x74: {  	_ =	swait.ge [sflag:s26], $0x2800  }
0x75: {  	[sflag:s26] =	ssyncset.done $0x0  }
0x76: {  	[sflag:s26] =	ssyncadd.s32 $0xFFFFD800  }
0x77: {  	s12 =	sadd.s32 $0xA0, s12;
	s8 =	smov.u32 s11;
	_ =	swait.ge [sflag:s28], $0x2800  }
0x78: {  	s7 =	smov.u32 s8;
	s8 =	sshrl.u32 s12, $0x3;
	[sflag:s28] =	ssyncset.done $0x0  }
0x79: {  	s13 =	sadd.s32 s5, s8;
	[sflag:s28] =	ssyncadd.s32 $0xFFFFD800  }
0x7a: {  	[tilespmem:s3], [sflag:$0x9] =	stream.linear.gather [hbm4b:s13+s3], $0x50, $0x38;
	[tilespmem:$0xA200] =	vst v63  }
0x7b: {  	_ =	swait.ge [sflag:s15], $0x50  }
0x7c: {  	[sflag:s15] =	ssyncset.done $0x0  }
0x7d: {  	s8 =	sadd.s32 s6, s8;
	[sflag:s15] =	ssyncadd.s32 $0xFFFFFFB0  }
0x7e: {  	[tilespmem:s16], [sflag:$0x9] =	stream.linear.gather [hbm4b:s8+s3], $0x50, $0x38;
	[tilespmem:$0xA200] =	vst v63  }
0x7f: {  	_ =	swait.ge [sflag:s15], $0x50  }
0x80: {  	[sflag:s15] =	ssyncset.done $0x0  }
0x81: {  	[sflag:s15] =	ssyncadd.s32 $0xFFFFFFB0  }
0x82: {  	[tilespmem:s18], [sflag:$0x1] =	stream.indirect.gather [hbm4b:s1+s17], $0x80, s3, s17, $0xb8;
	[tilespmem:$0xA200] =	vst v63  }
0x83: {  	_ = 	snop  }
0x84: {  	[tilespmem:s19], [sflag:$0x3] =	stream.indirect.gather [hbm4b:s4+s17], $0x80, s16, s17, $0xb8;
	[tilespmem:$0xA200] =	vst v63  }
0x85: {  	s11 =	sadd.s32 $0xA00, s11;
	_ =	swait.ge [sflag:s29], $0x2800  }
0x86: {  	p0 =	sne.s32 s11, $0x26C00;
	[sflag:s29] =	ssyncset.done $0x0  }
.Ltmp0:
0x87: {  	[sflag:s29] =	ssyncadd.s32 $0xFFFFD800;
	(pc) =	sbr.rel @p0 .LBB2_2-.Ltmp0, $4  }
0x88: {  	s10 =	sadd.s32 $0x14, s10;
	_ =	swait.ge [sflag:s30], $0x2800  }
0x89: {  	s9 =	sadd.s32 $0x14, s9;
	p1 =	seq.s32 s7, $0x0;
	[sflag:s30] =	ssyncset.done $0x0  }
0x8a: {  	s0 =	sadd.s32 $0x500, s0;
	s31 =	sadd.s32 $0x500, s31;
	[sflag:s30] =	ssyncadd.s32 $0xFFFFD800  }
0x8b: {  	[hbm4b:s0+s3] =	stream.linear.scatter [tilespmem:s22], [sflag:$0x6], $0x2800, $0x38;
	[tilespmem:$0xA200] =	vst v63  }
0x8c: {  	[hbm4b:s31+s3] =	stream.linear.scatter [tilespmem:s23], [sflag:$0x8], $0x2800, $0x38;
	[tilespmem:$0xA200] =	vst v63  }
0x8d: {  	s0 =	simm.s32 @!p1 $0x6  }
0x8e: {  	_ =	swait.ge @!p1 [sflag:s0], $0x2800  }
0x8f: {  	[sflag:s0] =	ssyncset.done @!p1 $0x0  }
0x90: {  	[sflag:s0] =	ssyncadd.s32 @!p1 $0xFFFFD800;
	s0 =	simm.s32 @!p1 $0x8  }
0x91: {  	_ =	swait.ge @!p1 [sflag:s0], $0x2800  }
0x92: {  	[sflag:s0] =	ssyncset.done @!p1 $0x0  }
0x93: {  	[sflag:s0] =	ssyncadd.s32 @!p1 $0xFFFFD800  }
0x94: {  	[tilespmem:s20], [sflag:$0x9] =	stream.linear.gather [hbm4b:s10+s3], $0x50, $0x38;
	[tilespmem:$0xA200] =	vst v63  }
0x95: {  	_ =	swait.ge [sflag:s15], $0x50  }
0x96: {  	[sflag:s15] =	ssyncset.done $0x0  }
0x97: {  	[sflag:s15] =	ssyncadd.s32 $0xFFFFFFB0  }
0x98: {  	[tilespmem:s21], [sflag:$0x9] =	stream.linear.gather [hbm4b:s9+s3], $0x50, $0x38;
	[tilespmem:$0xA200] =	vst v63  }
0x99: {  	_ =	swait.ge [sflag:s15], $0x50  }
0x9a: {  	[sflag:s15] =	ssyncset.done $0x0  }
0x9b: {  	[sflag:s15] =	ssyncadd.s32 $0xFFFFFFB0  }
0x9c: {  	[tilespmem:s22], [sflag:$0x2] =	stream.indirect.gather [hbm4b:s1+s17], $0x80, s20, s17, $0xb8;
	[tilespmem:$0xA200] =	vst v63  }
0x9d: {  	_ = 	snop  }
0x9e: {  	[tilespmem:s23], [sflag:$0x4] =	stream.indirect.gather [hbm4b:s4+s17], $0x80, s21, s17, $0xb8;
	[tilespmem:$0xA200] =	vst v63  }
0x9f: {  	_ =	swait.ge [sflag:s24], $0x2800  }
0xa0: {  	[sflag:s24] =	ssyncset.done $0x0  }
0xa1: {  	[sflag:s24] =	ssyncadd.s32 $0xFFFFD800  }
0xa2: {  	_ =	swait.ge [sflag:s25], $0x2800  }
0xa3: {  	s10 =	rddreg [dreg:$0x3];
	[sflag:s25] =	ssyncset.done $0x0  }
0xa4: {  	s8 =	rddreg [dreg:$0x4];
	[sflag:s25] =	ssyncadd.s32 $0xFFFFD800;
	s0 =	sadd.s32 s7, s10  }
0xa5: {  	[hbm4b:s0+s3] =	stream.linear.scatter [tilespmem:s18], [sflag:$0x5], $0x2800, $0x38;
	[tilespmem:$0xA200] =	vst v63  }
0xa6: {  	s11 =	sadd.s32 s7, s8  }
0xa7: {  	[hbm4b:s11+s3] =	stream.linear.scatter [tilespmem:s19], [sflag:$0x7], $0x2800, $0x38;
	[tilespmem:$0xA200] =	vst v63  }
0xa8: {  	_ =	swait.ge [sflag:s26], $0x2800  }
0xa9: {  	[sflag:s26] =	ssyncset.done $0x0  }
0xaa: {  	[sflag:s26] =	ssyncadd.s32 $0xFFFFD800  }
0xab: {  	s13 =	sadd.s32 $0xA0, s12;
	_ =	swait.ge [sflag:s28], $0x2800  }
0xac: {  	s8 =	sshrl.u32 s13, $0x3;
	[sflag:s28] =	ssyncset.done $0x0  }
0xad: {  	s31 =	sadd.s32 s5, s8;
	[sflag:s28] =	ssyncadd.s32 $0xFFFFD800  }
0xae: {  	[tilespmem:s3], [sflag:$0x9] =	stream.linear.gather [hbm4b:s31+s3], $0x50, $0x38;
	[tilespmem:$0xA200] =	vst v63  }
0xaf: {  	_ =	swait.ge [sflag:s15], $0x50  }
0xb0: {  	[sflag:s15] =	ssyncset.done $0x0  }
0xb1: {  	s8 =	sadd.s32 s6, s8;
	[sflag:s15] =	ssyncadd.s32 $0xFFFFFFB0  }
0xb2: {  	[tilespmem:s16], [sflag:$0x9] =	stream.linear.gather [hbm4b:s8+s3], $0x50, $0x38;
	[tilespmem:$0xA200] =	vst v63  }
0xb3: {  	_ =	swait.ge [sflag:s15], $0x50  }
0xb4: {  	[sflag:s15] =	ssyncset.done $0x0  }
0xb5: {  	[sflag:s15] =	ssyncadd.s32 $0xFFFFFFB0  }
0xb6: {  	[tilespmem:s18], [sflag:$0x1] =	stream.indirect.gather [hbm4b:s1+s17], $0x80, s3, s17, $0xb8;
	[tilespmem:$0xA200] =	vst v63  }
0xb7: {  	_ = 	snop  }
0xb8: {  	[tilespmem:s19], [sflag:$0x3] =	stream.indirect.gather [hbm4b:s4+s17], $0x80, s16, s17, $0xb8;
	[tilespmem:$0xA200] =	vst v63  }
0xb9: {  	_ =	swait.ge [sflag:s29], $0x2800  }
0xba: {  	[sflag:s29] =	ssyncset.done $0x0  }
0xbb: {  	[sflag:s29] =	ssyncadd.s32 $0xFFFFD800  }
0xbc: {  	_ =	swait.ge [sflag:s30], $0x2800  }
0xbd: {  	[sflag:s30] =	ssyncset.done $0x0  }
0xbe: {  	s0 =	sadd.s32 $0x500, s0;
	[sflag:s30] =	ssyncadd.s32 $0xFFFFD800  }
0xbf: {  	[hbm4b:s0+s3] =	stream.linear.scatter [tilespmem:s22], [sflag:$0x6], $0x2800, $0x38;
	[tilespmem:$0xA200] =	vst v63  }
0xc0: {  	s9 =	sadd.s32 $0x500, s11  }
0xc1: {  	[hbm4b:s9+s3] =	stream.linear.scatter [tilespmem:s23], [sflag:$0x8], $0x2800, $0x38;
	[tilespmem:$0xA200] =	vst v63  }
0xc2: {  	_ =	swait.ge [sflag:s24], $0x2800  }
0xc3: {  	[sflag:s24] =	ssyncset.done $0x0  }
0xc4: {  	[sflag:s24] =	ssyncadd.s32 $0xFFFFD800  }
0xc5: {  	_ =	swait.ge [sflag:s25], $0x2800  }
0xc6: {  	[sflag:s25] =	ssyncset.done $0x0  }
0xc7: {  	s10 =	rddreg [dreg:$0x7];
	[sflag:s25] =	ssyncadd.s32 $0xFFFFD800  }
0xc8: {  	[hbm4b:s10+s3] =	stream.linear.scatter [tilespmem:s18], [sflag:$0x5], $0x2800, $0x38;
	[tilespmem:$0xA200] =	vst v63  }
0xc9: {  	s11 =	rddreg [dreg:$0x8]  }
0xca: {  	[hbm4b:s11+s3] =	stream.linear.scatter [tilespmem:s19], [sflag:$0x7], $0x2800, $0x38;
	[tilespmem:$0xA200] =	vst v63  }
0xcb: {  	_ =	swait.ge [sflag:s26], $0x2800  }
0xcc: {  	[sflag:s26] =	ssyncset.done $0x0  }
0xcd: {  	[sflag:s26] =	ssyncadd.s32 $0xFFFFD800  }
0xce: {  	_ =	swait.ge [sflag:s28], $0x2800  }
0xcf: {  	[sflag:s28] =	ssyncset.done $0x0  }
0xd0: {  	s12 =	simm.s32 $0x6;
	[sflag:s28] =	ssyncadd.s32 $0xFFFFD800  }
0xd1: {  	_ =	swait.ge [sflag:s12], $0x2800  }
0xd2: {  	[sflag:s12] =	ssyncset.done $0x0  }
0xd3: {  	s13 =	simm.s32 $0x8;
	[sflag:s12] =	ssyncadd.s32 $0xFFFFD800  }
0xd4: {  	_ =	swait.ge [sflag:s13], $0x2800  }
0xd5: {  	s2 =	sadd.s32 $0x1, s2;
	s31 =	rddreg [dreg:$0x9]  }
0xd6: {  	p0 =	sne.s32 s2, s31  }
.Ltmp1:
0xd7: {  	_ = 	snop;
	(pc) =	sbr.rel @p0 .LBB2_1-.Ltmp1, $3  }
0xd8: {  	_ =	sdelay $0x1  }
0xd9: {  	[sflag:s13] =	ssyncset.done $0x0  }
0xda: {  	[sflag:s13] =	ssyncadd.s32 $0xFFFFD800  }
0xdb: {  	_ =	sfence.sel $0x180000  }
0xdc: {  	[bflag:$0x0] =	sbarrier.arrive $0xFFFF  }
0xdd: {  	_ =	strace $0x90000047  }
0xde: {  	s0 =	stileid.u32;
	[bflag:$0x2] =	sbarrier.arrive $0xFFFF  }
0xdf: {  	p0 =	sne.s32 s0, $0x0;
	s0 =	rddreg [dreg:$0x2]  }
0xe0: {  	s0 =	sadd.s32 @!p0 $0x100000, s0  }
0xe1: {  	[sflag:s0] =	ssyncadd.tile.s32 @!p0 $0x1;
	_ =	shalt  }
.Lfunc_end2:
_tile_overlayer_lowered:
.L_overlay_start_2:
0xe2: {  	(tag) =	ssettag $0x2  }
0xe3: {  	s0 =	rddreg [dreg:$0x0];
	s2 =	stileid.u32  }
0xe4: {  	s1 =	rddreg [dreg:$0x1];
	p0 =	sne.s32 s2, $0x0  }
0xe5: {  	s3 =	rddreg [dreg:$0x2];
	[bflag:$0x3] =	sbarrier.arrive $0xFFFF;
	s2 =	simm.s32 @!p0 $0x1C09  }
0xe6: {  	[timem:s3], [sflag:s2] =	dma.local @!p0 [hbm:s0], s1  }
0xe7: {  	s0 =	simm.s32 @!p0 $0x9  }
0xe8: {  	_ =	swait.ge @!p0 [sflag:s0], s1  }
0xe9: {  	s1 =	ssub.s32 @!p0 $0x0, s1;
	[sflag:s0] =	ssyncset.done @!p0 $0x0  }
0xea: {  	[sflag:s0] =	ssyncadd.s32 @!p0 s1  }
0xeb: {  	[bflag:$0x3] =	sbarrier.arrive $0xFFFF  }
0xec: {  	_ =	shalt  }

</sc_bundles>
